<compile_context>
chip_gen: v7x
topology: tpu7x:2x2x1
jax: 0.10.2.dev20260603
libtpu: 0.0.44.dev20260713+nightly
codegen_flags: <defaults>
</compile_context>

<pallas_src>
import jax
import jax.numpy as jnp
import numpy as np
from jax import lax
from jax.experimental import pallas as pl
from jax.experimental.pallas import tpu as pltpu
from jax.experimental.pallas import tpu_sc as plsc

N = 10000
D = 128
E = 320000

NC = 2
NS = 16
NW = NC * NS
CHUNK = 128
NCHUNK = 80
IB = 16
NGROUP = NCHUNK // IB
EPW = E // NW
PPW = NCHUNK * CHUNK - EPW
N_PAD = 10240
STRIPE = N_PAD // NS
ROWS_PER_TILE_COPY = 128


def _sc_aggregate_kernel(x_hbm, edges_hbm, sums_hbm, counts_hbm,
                         src_v, dst_v, counts_v, gbuf0, gbuf1,
                         sums_acc, sem0, sem1):
    c = lax.axis_index("c")
    s = lax.axis_index("s")
    wid = s * NC + c

    with jax.named_scope("phase_stage"):
        pltpu.sync_copy(edges_hbm.at[0, wid, pl.ds(0, IB)], src_v)
        pltpu.sync_copy(edges_hbm.at[1, wid, pl.ds(0, IB)], dst_v)
        pltpu.async_copy(x_hbm.at[src_v.at[1]], gbuf1, sem1)

    zeros16 = jnp.zeros((16,), jnp.float32)

    with jax.named_scope("phase_zero"):
        def _zrow(i, _):
            for k in range(D // 16):
                gbuf0[i, pl.ds(k * 16, 16)] = zeros16
            return 0
        lax.fori_loop(0, ROWS_PER_TILE_COPY, _zrow, 0)

        def _zcnt(i, _):
            counts_v[pl.ds(i * 16, 16)] = zeros16
            return 0
        lax.fori_loop(0, N_PAD // 16, _zcnt, 0)

        for k in range(STRIPE // ROWS_PER_TILE_COPY):
            pltpu.sync_copy(
                gbuf0,
                sums_acc.at[pl.ds(s * STRIPE + k * ROWS_PER_TILE_COPY,
                                  ROWS_PER_TILE_COPY)])

    pltpu.async_copy(x_hbm.at[src_v.at[0]], gbuf0, sem0)

    with jax.named_scope("phase_barrier1"):
        plsc.subcore_barrier()

    ones16 = jnp.ones((16,), jnp.float32)

    def _half(m, gbuf, sem, refill):
        pltpu.make_async_copy(x_hbm.at[src_v.at[m]], gbuf, sem).wait()
        pltpu.sync_copy(gbuf, sums_acc.at[dst_v.at[m]], add=True)
        if refill:
            pltpu.async_copy(x_hbm.at[src_v.at[m + 2]], gbuf, sem)
        for k in range(CHUNK // 16):
            idx = dst_v.at[m][pl.ds(k * 16, 16)]
            plsc.addupdate_scatter(counts_v, [idx], ones16)

    def _group(g, _):
        def _pair(i, _):
            _half(2 * i, gbuf0, sem0, True)
            _half(2 * i + 1, gbuf1, sem1, True)
            return 0

        lax.fori_loop(0, IB // 2 - 1, _pair, 0)

        @pl.when(g + 1 < NGROUP)
        def _():
            _half(IB - 2, gbuf0, sem0, False)
            _half(IB - 1, gbuf1, sem1, False)
            pltpu.sync_copy(edges_hbm.at[0, wid, pl.ds((g + 1) * IB, IB)], src_v)
            pltpu.sync_copy(edges_hbm.at[1, wid, pl.ds((g + 1) * IB, IB)], dst_v)
            pltpu.async_copy(x_hbm.at[src_v.at[0]], gbuf0, sem0)
            pltpu.async_copy(x_hbm.at[src_v.at[1]], gbuf1, sem1)

        @pl.when(g + 1 >= NGROUP)
        def _():
            _half(IB - 2, gbuf0, sem0, False)
            _half(IB - 1, gbuf1, sem1, False)
        return 0

    with jax.named_scope("phase_mainloop"):
        lax.fori_loop(0, NGROUP, _group, 0)

    with jax.named_scope("phase_barrier2"):
        plsc.subcore_barrier()

    with jax.named_scope("phase_export"):
        pltpu.sync_copy(sums_acc.at[pl.ds(s * STRIPE, STRIPE)],
                        sums_hbm.at[c, pl.ds(s * STRIPE, STRIPE)])
        pltpu.sync_copy(counts_v, counts_hbm.at[wid])


def _sc_aggregate(x, edges_r):
    mesh = plsc.VectorSubcoreMesh(core_axis_name="c", subcore_axis_name="s")
    return pl.kernel(
        _sc_aggregate_kernel,
        out_type=(
            jax.ShapeDtypeStruct((NC, N_PAD, D), jnp.float32),
            jax.ShapeDtypeStruct((NW, N_PAD), jnp.float32),
        ),
        mesh=mesh,
        scratch_types=[
            pltpu.VMEM((IB, CHUNK), jnp.int32),
            pltpu.VMEM((IB, CHUNK), jnp.int32),
            pltpu.VMEM((N_PAD,), jnp.float32),
            pltpu.VMEM((CHUNK, D), jnp.float32),
            pltpu.VMEM((CHUNK, D), jnp.float32),
            pltpu.VMEM_SHARED((N_PAD, D), jnp.float32),
            pltpu.SemaphoreType.DMA,
            pltpu.SemaphoreType.DMA,
        ],
        compiler_params=pltpu.CompilerParams(needs_layout_passes=False),
    )(x, edges_r)


def _tc_finish_kernel(sums_ref, counts_ref, x_ref, wt_ref, b_ref, out_ref):
    s = sums_ref[0] + sums_ref[1]
    cnt = jnp.sum(counts_ref[...], axis=0)
    agg = (s + x_ref[...]) / (cnt[:, None] + 1.0)
    acc = jnp.dot(agg, wt_ref[...], preferred_element_type=jnp.float32)
    out_ref[...] = jnp.maximum(acc + b_ref[...], 0.0)


def _tc_finish(sums_p, counts_p, x, wt, b2):
    blk = 1024
    grid = N_PAD // blk
    return pl.pallas_call(
        _tc_finish_kernel,
        grid=(grid,),
        in_specs=[
            pl.BlockSpec((NC, blk, D), lambda i: (0, i, 0)),
            pl.BlockSpec((NW, blk), lambda i: (0, i)),
            pl.BlockSpec((blk, D), lambda i: (i, 0)),
            pl.BlockSpec((D, D), lambda i: (0, 0)),
            pl.BlockSpec((1, D), lambda i: (0, 0)),
        ],
        out_specs=pl.BlockSpec((blk, D), lambda i: (i, 0)),
        out_shape=jax.ShapeDtypeStruct((N, D), jnp.float32),
    )(sums_p, counts_p, x, wt, b2)


def kernel(x, edge_index, W, b):
    pad_srcs = (np.arange(PPW) * 41) % N
    pad_dsts = N + np.arange(PPW)
    pad_blk = jnp.asarray(
        np.broadcast_to(np.stack([pad_srcs, pad_dsts])[:, None, :],
                        (2, NW, PPW)), dtype=jnp.int32)
    er = edge_index.reshape(2, NW, EPW)
    edges_r = jnp.concatenate([er, pad_blk], axis=2).reshape(
        2, NW, NCHUNK, CHUNK)
    sums_p, counts_p = _sc_aggregate(x, edges_r)
    return _tc_finish(sums_p, counts_p, x, W.T, b.reshape(1, D))

# --- scband reference (transcript-rebuilt; emitter-appended) ---
"""Pipeline reference for scband-graph-sagelayer-71906342469642 (READ-ONLY COPY).

The authoritative reference and input builder live on the scoring server;
editing this copy changes nothing except your own understanding.
"""

import jax, jax.numpy as jnp
import numpy as np

N = 10000
D = 128
E = 320000

def setup_inputs(seed: int = 0) -> dict:
    key = jax.random.key(seed)
    k1, k2, k3 = jax.random.split(key, 3)
    x = jax.random.normal(k1, (N, D), dtype=jnp.float32)
    edge_index = jax.random.randint(k2, (2, E), 0, N).astype(jnp.int32)
    # Linear layer params (xavier-uniform-like init), torch layout W[out, in]
    limit = float(np.sqrt(6.0 / (D + D)))
    W = jax.random.uniform(k3, (D, D), dtype=jnp.float32, minval=-limit, maxval=limit)
    b = jnp.zeros((D,), dtype=jnp.float32)
    return {"x": x, "edge_index": edge_index, "W": W, "b": b}

def reference(x, edge_index, W, b):
    # GraphSAGE Mean aggregator: mean over {self} U {neighbors}, then Linear + ReLU.
    # dropout_prob = 0.0 -> dropout is identity at these settings.
    n = x.shape[0]
    src = edge_index[0]
    dst = edge_index[1]
    msgs = jnp.take(x, src, axis=0)                                  # gather  [E, D]
    sums = jax.ops.segment_sum(msgs, dst, num_segments=n)            # scatter-add [N, D]
    counts = jax.ops.segment_sum(jnp.ones((src.shape[0],), dtype=x.dtype), dst, num_segments=n)
    agg = (sums + x) / (counts[:, None] + 1.0)                       # mean incl. self
    out = jax.nn.relu(agg @ W.T + b)
    return out

if __name__ == "__main__":
    import jax
    _d = setup_inputs()
    print(jax.jit(kernel)(*tuple(_d.values())))

</pallas_src>

<mosaic_0001>
#map = affine_map<(d0, d1) -> (0, 0)>
#map1 = affine_map<(d0, d1) -> (0, 0, 0, 0)>
#map2 = affine_map<(d0, d1) -> (0, 0, 0)>
module attributes {stable_mosaic.version = 14 : i64} {
  func.func @_sc_aggregate_kernel(%arg0: i32, %arg1: i32, %arg2: memref<10000x128xf32, #tpu.memory_space<hbm>>, %arg3: memref<2x32x80x128xi32, #tpu.memory_space<hbm>>, %arg4: memref<2x10240x128xf32, #tpu.memory_space<hbm>>, %arg5: memref<32x10240xf32, #tpu.memory_space<hbm>>, %arg6: memref<16x128xi32, #tpu.memory_space<vmem>>, %arg7: memref<16x128xi32, #tpu.memory_space<vmem>>, %arg8: memref<10240xf32, #tpu.memory_space<vmem>>, %arg9: memref<128x128xf32, #tpu.memory_space<vmem>>, %arg10: memref<128x128xf32, #tpu.memory_space<vmem>>, %arg11: memref<10240x128xf32, #tpu.memory_space<vmem_shared>>, %arg12: memref<!tpu.dma_semaphore, #tpu.memory_space<semaphore_mem>>, %arg13: memref<!tpu.dma_semaphore, #tpu.memory_space<semaphore_mem>>) attributes {dimension_semantics = [#tpu.dimension_semantics<core_parallel>, #tpu.dimension_semantics<subcore_parallel>], iteration_bounds = array<i64: 2, 16>, scalar_prefetch = 0 : i64, scratch_operands = 8 : i64, tpu.core_type = #tpu.core_type<sc_vector_subcore>, window_params = [{transform_indices = #map}, {transform_indices = #map1}, {transform_indices = #map2}, {transform_indices = #map}]} {
    %mul3A = arith.constant 2 : i32
    %mul3A_0 = arith.muli %arg1, %mul3A : i32
    %add3A = arith.addi %mul3A_0, %arg0 : i32
    %run_scoped3A = arith.constant 0 : i32
    "tpu.trace_start"() <{level = 10 : i32, message = "phase_stage"}> : () -> ()
    "tpu.region"() ({
      %run_scoped3A_63 = tpu.sem_alloc : memref<!tpu.dma_semaphore, #tpu.memory_space<semaphore_mem>>
      %dma_start3A_64 = arith.constant 0 : i32
      %dma_start3A_65 = arith.constant 0 : i32
      %dma_start3A_66 = tpu.memref_slice %arg3[%run_scoped3A, %add3A, %dma_start3A_64, %dma_start3A_65] : memref<2x32x80x128xi32, #tpu.memory_space<hbm>> -> memref<1x1x16x128xi32, #tpu.memory_space<hbm>>
      %dma_start3A_67 = tpu.memref_squeeze %dma_start3A_66 : memref<1x1x16x128xi32, #tpu.memory_space<hbm>> -> memref<16x128xi32, #tpu.memory_space<hbm>>
      %dma_start3A_68 = arith.constant 0 : i32
      %dma_start3A_69 = arith.constant 0 : i32
      %dma_start3A_70 = tpu.memref_slice %arg3[%run_scoped3A, %add3A, %dma_start3A_68, %dma_start3A_69] : memref<2x32x80x128xi32, #tpu.memory_space<hbm>> -> memref<1x1x16x128xi32, #tpu.memory_space<hbm>>
      %dma_start3A_71 = tpu.memref_squeeze %dma_start3A_70 : memref<1x1x16x128xi32, #tpu.memory_space<hbm>> -> memref<16x128xi32, #tpu.memory_space<hbm>>
      tpu.enqueue_dma source(%dma_start3A_71 : memref<16x128xi32, #tpu.memory_space<hbm>>) target(%arg6 : memref<16x128xi32, #tpu.memory_space<vmem>>) target_semaphore(%run_scoped3A_63 : memref<!tpu.dma_semaphore, #tpu.memory_space<semaphore_mem>>)
      %dma_wait3A = arith.constant 0 : i32
      %dma_wait3A_72 = arith.constant 0 : i32
      %dma_wait3A_73 = tpu.memref_slice %arg3[%run_scoped3A, %add3A, %dma_wait3A, %dma_wait3A_72] : memref<2x32x80x128xi32, #tpu.memory_space<hbm>> -> memref<1x1x16x128xi32, #tpu.memory_space<hbm>>
      %dma_wait3A_74 = tpu.memref_squeeze %dma_wait3A_73 : memref<1x1x16x128xi32, #tpu.memory_space<hbm>> -> memref<16x128xi32, #tpu.memory_space<hbm>>
      %dma_wait3A_75 = arith.constant 0 : i32
      %dma_wait3A_76 = arith.constant 0 : i32
      %dma_wait3A_77 = tpu.memref_slice %arg3[%run_scoped3A, %add3A, %dma_wait3A_75, %dma_wait3A_76] : memref<2x32x80x128xi32, #tpu.memory_space<hbm>> -> memref<1x1x16x128xi32, #tpu.memory_space<hbm>>
      %dma_wait3A_78 = tpu.memref_squeeze %dma_wait3A_77 : memref<1x1x16x128xi32, #tpu.memory_space<hbm>> -> memref<16x128xi32, #tpu.memory_space<hbm>>
      tpu.wait_dma2 semaphore(%run_scoped3A_63 : memref<!tpu.dma_semaphore, #tpu.memory_space<semaphore_mem>>) src(%dma_wait3A_78 : memref<16x128xi32, #tpu.memory_space<hbm>>) dst(%arg6 : memref<16x128xi32, #tpu.memory_space<vmem>>)
      tpu.yield
    }) : () -> ()
    %run_scoped3A_1 = arith.constant 1 : i32
    "tpu.region"() ({
      %run_scoped3A_63 = tpu.sem_alloc : memref<!tpu.dma_semaphore, #tpu.memory_space<semaphore_mem>>
      %dma_start3A_64 = arith.constant 0 : i32
      %dma_start3A_65 = arith.constant 0 : i32
      %dma_start3A_66 = tpu.memref_slice %arg3[%run_scoped3A_1, %add3A, %dma_start3A_64, %dma_start3A_65] : memref<2x32x80x128xi32, #tpu.memory_space<hbm>> -> memref<1x1x16x128xi32, #tpu.memory_space<hbm>>
      %dma_start3A_67 = tpu.memref_squeeze %dma_start3A_66 : memref<1x1x16x128xi32, #tpu.memory_space<hbm>> -> memref<16x128xi32, #tpu.memory_space<hbm>>
      %dma_start3A_68 = arith.constant 0 : i32
      %dma_start3A_69 = arith.constant 0 : i32
      %dma_start3A_70 = tpu.memref_slice %arg3[%run_scoped3A_1, %add3A, %dma_start3A_68, %dma_start3A_69] : memref<2x32x80x128xi32, #tpu.memory_space<hbm>> -> memref<1x1x16x128xi32, #tpu.memory_space<hbm>>
      %dma_start3A_71 = tpu.memref_squeeze %dma_start3A_70 : memref<1x1x16x128xi32, #tpu.memory_space<hbm>> -> memref<16x128xi32, #tpu.memory_space<hbm>>
      tpu.enqueue_dma source(%dma_start3A_71 : memref<16x128xi32, #tpu.memory_space<hbm>>) target(%arg7 : memref<16x128xi32, #tpu.memory_space<vmem>>) target_semaphore(%run_scoped3A_63 : memref<!tpu.dma_semaphore, #tpu.memory_space<semaphore_mem>>)
      %dma_wait3A = arith.constant 0 : i32
      %dma_wait3A_72 = arith.constant 0 : i32
      %dma_wait3A_73 = tpu.memref_slice %arg3[%run_scoped3A_1, %add3A, %dma_wait3A, %dma_wait3A_72] : memref<2x32x80x128xi32, #tpu.memory_space<hbm>> -> memref<1x1x16x128xi32, #tpu.memory_space<hbm>>
      %dma_wait3A_74 = tpu.memref_squeeze %dma_wait3A_73 : memref<1x1x16x128xi32, #tpu.memory_space<hbm>> -> memref<16x128xi32, #tpu.memory_space<hbm>>
      %dma_wait3A_75 = arith.constant 0 : i32
      %dma_wait3A_76 = arith.constant 0 : i32
      %dma_wait3A_77 = tpu.memref_slice %arg3[%run_scoped3A_1, %add3A, %dma_wait3A_75, %dma_wait3A_76] : memref<2x32x80x128xi32, #tpu.memory_space<hbm>> -> memref<1x1x16x128xi32, #tpu.memory_space<hbm>>
      %dma_wait3A_78 = tpu.memref_squeeze %dma_wait3A_77 : memref<1x1x16x128xi32, #tpu.memory_space<hbm>> -> memref<16x128xi32, #tpu.memory_space<hbm>>
      tpu.wait_dma2 semaphore(%run_scoped3A_63 : memref<!tpu.dma_semaphore, #tpu.memory_space<semaphore_mem>>) src(%dma_wait3A_78 : memref<16x128xi32, #tpu.memory_space<hbm>>) dst(%arg7 : memref<16x128xi32, #tpu.memory_space<vmem>>)
      tpu.yield
    }) : () -> ()
    %dma_start3A = arith.constant 1 : i32
    %dma_start3A_2 = arith.constant 0 : i32
    %dma_start3A_3 = tpu.memref_slice %arg6[%dma_start3A, %dma_start3A_2] : memref<16x128xi32, #tpu.memory_space<vmem>> -> memref<1x128xi32, #tpu.memory_space<vmem>>
    %dma_start3A_4 = tpu.memref_squeeze %dma_start3A_3 : memref<1x128xi32, #tpu.memory_space<vmem>> -> memref<128xi32, #tpu.memory_space<vmem>>
    %dma_start3A_5 = arith.constant 0 : i32
    %dma_start3A_6 = arith.constant 0 : i32
    %dma_start3A_7 = tpu.memref_slice %arg2[%dma_start3A_5, %dma_start3A_6] : memref<10000x128xf32, #tpu.memory_space<hbm>> -> memref<10000x128xf32, #tpu.memory_space<hbm>>
    tpu.enqueue_indirect_dma source(%dma_start3A_7 : memref<10000x128xf32, #tpu.memory_space<hbm>>) target(%arg10 : memref<128x128xf32, #tpu.memory_space<vmem>>) offsets(%dma_start3A_4 : memref<128xi32, #tpu.memory_space<vmem>>) semaphore(%arg13 : memref<!tpu.dma_semaphore, #tpu.memory_space<semaphore_mem>>)
    %broadcast_in_dim3A = arith.constant 0.000000e+00 : f32
    "tpu.trace_stop"() : () -> ()
    %broadcast_in_dim3A_8 = vector.broadcast %broadcast_in_dim3A : f32 to vector<16xf32>
    "tpu.trace_start"() <{level = 10 : i32, message = "phase_zero"}> : () -> ()
    %scan3A = arith.constant 0 : i32
    %scan3A_9 = arith.constant 0 : i32
    %scan3A_10 = arith.constant 128 : i32
    %scan3A_11 = arith.addi %scan3A_9, %scan3A_10 : i32
    %scan3A_12 = arith.constant 1 : i32
    %scan3A_13 = scf.for %scan3A_63 = %scan3A_9 to %scan3A_11 step %scan3A_12 iter_args(%scan3A_64 = %scan3A) -> (i32)  : i32 {
      %swap3A = arith.index_cast %scan3A_63 : i32 to index
      %swap3A_65 = arith.constant 0 : index
      %swap3A_66 = tpu.vector_load %arg9[%swap3A, %swap3A_65] {strides = array<i32>} : memref<128x128xf32, #tpu.memory_space<vmem>>, vector<16xf32>,
      tpu.vector_store %arg9[%swap3A, %swap3A_65], %broadcast_in_dim3A_8 {strides = array<i32>} : memref<128x128xf32, #tpu.memory_space<vmem>>, vector<16xf32>,
      %swap3A_67 = arith.index_cast %scan3A_63 : i32 to index
      %swap3A_68 = arith.constant 16 : index
      %swap3A_69 = tpu.vector_load %arg9[%swap3A_67, %swap3A_68] {strides = array<i32>} : memref<128x128xf32, #tpu.memory_space<vmem>>, vector<16xf32>,
      tpu.vector_store %arg9[%swap3A_67, %swap3A_68], %broadcast_in_dim3A_8 {strides = array<i32>} : memref<128x128xf32, #tpu.memory_space<vmem>>, vector<16xf32>,
      %swap3A_70 = arith.index_cast %scan3A_63 : i32 to index
      %swap3A_71 = arith.constant 32 : index
      %swap3A_72 = tpu.vector_load %arg9[%swap3A_70, %swap3A_71] {strides = array<i32>} : memref<128x128xf32, #tpu.memory_space<vmem>>, vector<16xf32>,
      tpu.vector_store %arg9[%swap3A_70, %swap3A_71], %broadcast_in_dim3A_8 {strides = array<i32>} : memref<128x128xf32, #tpu.memory_space<vmem>>, vector<16xf32>,
      %swap3A_73 = arith.index_cast %scan3A_63 : i32 to index
      %swap3A_74 = arith.constant 48 : index
      %swap3A_75 = tpu.vector_load %arg9[%swap3A_73, %swap3A_74] {strides = array<i32>} : memref<128x128xf32, #tpu.memory_space<vmem>>, vector<16xf32>,
      tpu.vector_store %arg9[%swap3A_73, %swap3A_74], %broadcast_in_dim3A_8 {strides = array<i32>} : memref<128x128xf32, #tpu.memory_space<vmem>>, vector<16xf32>,
      %swap3A_76 = arith.index_cast %scan3A_63 : i32 to index
      %swap3A_77 = arith.constant 64 : index
      %swap3A_78 = tpu.vector_load %arg9[%swap3A_76, %swap3A_77] {strides = array<i32>} : memref<128x128xf32, #tpu.memory_space<vmem>>, vector<16xf32>,
      tpu.vector_store %arg9[%swap3A_76, %swap3A_77], %broadcast_in_dim3A_8 {strides = array<i32>} : memref<128x128xf32, #tpu.memory_space<vmem>>, vector<16xf32>,
      %swap3A_79 = arith.index_cast %scan3A_63 : i32 to index
      %swap3A_80 = arith.constant 80 : index
      %swap3A_81 = tpu.vector_load %arg9[%swap3A_79, %swap3A_80] {strides = array<i32>} : memref<128x128xf32, #tpu.memory_space<vmem>>, vector<16xf32>,
      tpu.vector_store %arg9[%swap3A_79, %swap3A_80], %broadcast_in_dim3A_8 {strides = array<i32>} : memref<128x128xf32, #tpu.memory_space<vmem>>, vector<16xf32>,
      %swap3A_82 = arith.index_cast %scan3A_63 : i32 to index
      %swap3A_83 = arith.constant 96 : index
      %swap3A_84 = tpu.vector_load %arg9[%swap3A_82, %swap3A_83] {strides = array<i32>} : memref<128x128xf32, #tpu.memory_space<vmem>>, vector<16xf32>,
      tpu.vector_store %arg9[%swap3A_82, %swap3A_83], %broadcast_in_dim3A_8 {strides = array<i32>} : memref<128x128xf32, #tpu.memory_space<vmem>>, vector<16xf32>,
      %swap3A_85 = arith.index_cast %scan3A_63 : i32 to index
      %swap3A_86 = arith.constant 112 : index
      %swap3A_87 = tpu.vector_load %arg9[%swap3A_85, %swap3A_86] {strides = array<i32>} : memref<128x128xf32, #tpu.memory_space<vmem>>, vector<16xf32>,
      tpu.vector_store %arg9[%swap3A_85, %swap3A_86], %broadcast_in_dim3A_8 {strides = array<i32>} : memref<128x128xf32, #tpu.memory_space<vmem>>, vector<16xf32>,
      %scan3A_88 = arith.constant 0 : i32
      scf.yield %scan3A_88 : i32
    }
    %scan3A_14 = arith.constant 128 : i32
    %scan3A_15 = arith.constant 0 : i32
    %scan3A_16 = arith.constant 0 : i32
    %scan3A_17 = arith.constant 640 : i32
    %scan3A_18 = arith.addi %scan3A_16, %scan3A_17 : i32
    %scan3A_19 = arith.constant 1 : i32
    %scan3A_20 = scf.for %scan3A_63 = %scan3A_16 to %scan3A_18 step %scan3A_19 iter_args(%scan3A_64 = %scan3A_15) -> (i32)  : i32 {
      %mul3A_65 = arith.constant 16 : i32
      %mul3A_66 = arith.muli %scan3A_63, %mul3A_65 : i32
      %swap3A = arith.index_cast %mul3A_66 : i32 to index
      %swap3A_67 = tpu.vector_load %arg8[%swap3A] {strides = array<i32>} : memref<10240xf32, #tpu.memory_space<vmem>>, vector<16xf32>,
      tpu.vector_store %arg8[%swap3A], %broadcast_in_dim3A_8 {strides = array<i32>} : memref<10240xf32, #tpu.memory_space<vmem>>, vector<16xf32>,
      %scan3A_68 = arith.constant 0 : i32
      scf.yield %scan3A_68 : i32
    }
    %scan3A_21 = arith.constant 640 : i32
    %mul3A_22 = arith.constant 640 : i32
    %mul3A_23 = arith.muli %arg1, %mul3A_22 : i32
    %add3A_24 = arith.constant 0 : i32
    %add3A_25 = arith.addi %mul3A_23, %add3A_24 : i32
    "tpu.region"() ({
      %run_scoped3A_63 = tpu.sem_alloc : memref<!tpu.dma_semaphore, #tpu.memory_space<semaphore_mem>>
      %dma_start3A_64 = arith.constant 0 : i32
      %dma_start3A_65 = tpu.memref_slice %arg11[%add3A_25, %dma_start3A_64] : memref<10240x128xf32, #tpu.memory_space<vmem_shared>> -> memref<128x128xf32, #tpu.memory_space<vmem_shared>>
      %dma_start3A_66 = arith.constant 0 : i32
      %dma_start3A_67 = tpu.memref_slice %arg11[%add3A_25, %dma_start3A_66] : memref<10240x128xf32, #tpu.memory_space<vmem_shared>> -> memref<128x128xf32, #tpu.memory_space<vmem_shared>>
      tpu.enqueue_dma source(%arg9 : memref<128x128xf32, #tpu.memory_space<vmem>>) target(%dma_start3A_67 : memref<128x128xf32, #tpu.memory_space<vmem_shared>>) target_semaphore(%run_scoped3A_63 : memref<!tpu.dma_semaphore, #tpu.memory_space<semaphore_mem>>)
      %dma_wait3A = arith.constant 0 : i32
      %dma_wait3A_68 = tpu.memref_slice %arg11[%add3A_25, %dma_wait3A] : memref<10240x128xf32, #tpu.memory_space<vmem_shared>> -> memref<128x128xf32, #tpu.memory_space<vmem_shared>>
      %dma_wait3A_69 = arith.constant 0 : i32
      %dma_wait3A_70 = tpu.memref_slice %arg11[%add3A_25, %dma_wait3A_69] : memref<10240x128xf32, #tpu.memory_space<vmem_shared>> -> memref<128x128xf32, #tpu.memory_space<vmem_shared>>
      tpu.wait_dma2 semaphore(%run_scoped3A_63 : memref<!tpu.dma_semaphore, #tpu.memory_space<semaphore_mem>>) src(%arg9 : memref<128x128xf32, #tpu.memory_space<vmem>>) dst(%dma_wait3A_70 : memref<128x128xf32, #tpu.memory_space<vmem_shared>>)
      tpu.yield
    }) : () -> ()
    %mul3A_26 = arith.constant 640 : i32
    %mul3A_27 = arith.muli %arg1, %mul3A_26 : i32
    %add3A_28 = arith.constant 128 : i32
    %add3A_29 = arith.addi %mul3A_27, %add3A_28 : i32
    "tpu.region"() ({
      %run_scoped3A_63 = tpu.sem_alloc : memref<!tpu.dma_semaphore, #tpu.memory_space<semaphore_mem>>
      %dma_start3A_64 = arith.constant 0 : i32
      %dma_start3A_65 = tpu.memref_slice %arg11[%add3A_29, %dma_start3A_64] : memref<10240x128xf32, #tpu.memory_space<vmem_shared>> -> memref<128x128xf32, #tpu.memory_space<vmem_shared>>
      %dma_start3A_66 = arith.constant 0 : i32
      %dma_start3A_67 = tpu.memref_slice %arg11[%add3A_29, %dma_start3A_66] : memref<10240x128xf32, #tpu.memory_space<vmem_shared>> -> memref<128x128xf32, #tpu.memory_space<vmem_shared>>
      tpu.enqueue_dma source(%arg9 : memref<128x128xf32, #tpu.memory_space<vmem>>) target(%dma_start3A_67 : memref<128x128xf32, #tpu.memory_space<vmem_shared>>) target_semaphore(%run_scoped3A_63 : memref<!tpu.dma_semaphore, #tpu.memory_space<semaphore_mem>>)
      %dma_wait3A = arith.constant 0 : i32
      %dma_wait3A_68 = tpu.memref_slice %arg11[%add3A_29, %dma_wait3A] : memref<10240x128xf32, #tpu.memory_space<vmem_shared>> -> memref<128x128xf32, #tpu.memory_space<vmem_shared>>
      %dma_wait3A_69 = arith.constant 0 : i32
      %dma_wait3A_70 = tpu.memref_slice %arg11[%add3A_29, %dma_wait3A_69] : memref<10240x128xf32, #tpu.memory_space<vmem_shared>> -> memref<128x128xf32, #tpu.memory_space<vmem_shared>>
      tpu.wait_dma2 semaphore(%run_scoped3A_63 : memref<!tpu.dma_semaphore, #tpu.memory_space<semaphore_mem>>) src(%arg9 : memref<128x128xf32, #tpu.memory_space<vmem>>) dst(%dma_wait3A_70 : memref<128x128xf32, #tpu.memory_space<vmem_shared>>)
      tpu.yield
    }) : () -> ()
    %mul3A_30 = arith.constant 640 : i32
    %mul3A_31 = arith.muli %arg1, %mul3A_30 : i32
    %add3A_32 = arith.constant 256 : i32
    %add3A_33 = arith.addi %mul3A_31, %add3A_32 : i32
    "tpu.region"() ({
      %run_scoped3A_63 = tpu.sem_alloc : memref<!tpu.dma_semaphore, #tpu.memory_space<semaphore_mem>>
      %dma_start3A_64 = arith.constant 0 : i32
      %dma_start3A_65 = tpu.memref_slice %arg11[%add3A_33, %dma_start3A_64] : memref<10240x128xf32, #tpu.memory_space<vmem_shared>> -> memref<128x128xf32, #tpu.memory_space<vmem_shared>>
      %dma_start3A_66 = arith.constant 0 : i32
      %dma_start3A_67 = tpu.memref_slice %arg11[%add3A_33, %dma_start3A_66] : memref<10240x128xf32, #tpu.memory_space<vmem_shared>> -> memref<128x128xf32, #tpu.memory_space<vmem_shared>>
      tpu.enqueue_dma source(%arg9 : memref<128x128xf32, #tpu.memory_space<vmem>>) target(%dma_start3A_67 : memref<128x128xf32, #tpu.memory_space<vmem_shared>>) target_semaphore(%run_scoped3A_63 : memref<!tpu.dma_semaphore, #tpu.memory_space<semaphore_mem>>)
      %dma_wait3A = arith.constant 0 : i32
      %dma_wait3A_68 = tpu.memref_slice %arg11[%add3A_33, %dma_wait3A] : memref<10240x128xf32, #tpu.memory_space<vmem_shared>> -> memref<128x128xf32, #tpu.memory_space<vmem_shared>>
      %dma_wait3A_69 = arith.constant 0 : i32
      %dma_wait3A_70 = tpu.memref_slice %arg11[%add3A_33, %dma_wait3A_69] : memref<10240x128xf32, #tpu.memory_space<vmem_shared>> -> memref<128x128xf32, #tpu.memory_space<vmem_shared>>
      tpu.wait_dma2 semaphore(%run_scoped3A_63 : memref<!tpu.dma_semaphore, #tpu.memory_space<semaphore_mem>>) src(%arg9 : memref<128x128xf32, #tpu.memory_space<vmem>>) dst(%dma_wait3A_70 : memref<128x128xf32, #tpu.memory_space<vmem_shared>>)
      tpu.yield
    }) : () -> ()
    %mul3A_34 = arith.constant 640 : i32
    %mul3A_35 = arith.muli %arg1, %mul3A_34 : i32
    %add3A_36 = arith.constant 384 : i32
    %add3A_37 = arith.addi %mul3A_35, %add3A_36 : i32
    "tpu.region"() ({
      %run_scoped3A_63 = tpu.sem_alloc : memref<!tpu.dma_semaphore, #tpu.memory_space<semaphore_mem>>
      %dma_start3A_64 = arith.constant 0 : i32
      %dma_start3A_65 = tpu.memref_slice %arg11[%add3A_37, %dma_start3A_64] : memref<10240x128xf32, #tpu.memory_space<vmem_shared>> -> memref<128x128xf32, #tpu.memory_space<vmem_shared>>
      %dma_start3A_66 = arith.constant 0 : i32
      %dma_start3A_67 = tpu.memref_slice %arg11[%add3A_37, %dma_start3A_66] : memref<10240x128xf32, #tpu.memory_space<vmem_shared>> -> memref<128x128xf32, #tpu.memory_space<vmem_shared>>
      tpu.enqueue_dma source(%arg9 : memref<128x128xf32, #tpu.memory_space<vmem>>) target(%dma_start3A_67 : memref<128x128xf32, #tpu.memory_space<vmem_shared>>) target_semaphore(%run_scoped3A_63 : memref<!tpu.dma_semaphore, #tpu.memory_space<semaphore_mem>>)
      %dma_wait3A = arith.constant 0 : i32
      %dma_wait3A_68 = tpu.memref_slice %arg11[%add3A_37, %dma_wait3A] : memref<10240x128xf32, #tpu.memory_space<vmem_shared>> -> memref<128x128xf32, #tpu.memory_space<vmem_shared>>
      %dma_wait3A_69 = arith.constant 0 : i32
      %dma_wait3A_70 = tpu.memref_slice %arg11[%add3A_37, %dma_wait3A_69] : memref<10240x128xf32, #tpu.memory_space<vmem_shared>> -> memref<128x128xf32, #tpu.memory_space<vmem_shared>>
      tpu.wait_dma2 semaphore(%run_scoped3A_63 : memref<!tpu.dma_semaphore, #tpu.memory_space<semaphore_mem>>) src(%arg9 : memref<128x128xf32, #tpu.memory_space<vmem>>) dst(%dma_wait3A_70 : memref<128x128xf32, #tpu.memory_space<vmem_shared>>)
      tpu.yield
    }) : () -> ()
    %mul3A_38 = arith.constant 640 : i32
    %mul3A_39 = arith.muli %arg1, %mul3A_38 : i32
    %add3A_40 = arith.constant 512 : i32
    %add3A_41 = arith.addi %mul3A_39, %add3A_40 : i32
    "tpu.region"() ({
      %run_scoped3A_63 = tpu.sem_alloc : memref<!tpu.dma_semaphore, #tpu.memory_space<semaphore_mem>>
      %dma_start3A_64 = arith.constant 0 : i32
      %dma_start3A_65 = tpu.memref_slice %arg11[%add3A_41, %dma_start3A_64] : memref<10240x128xf32, #tpu.memory_space<vmem_shared>> -> memref<128x128xf32, #tpu.memory_space<vmem_shared>>
      %dma_start3A_66 = arith.constant 0 : i32
      %dma_start3A_67 = tpu.memref_slice %arg11[%add3A_41, %dma_start3A_66] : memref<10240x128xf32, #tpu.memory_space<vmem_shared>> -> memref<128x128xf32, #tpu.memory_space<vmem_shared>>
      tpu.enqueue_dma source(%arg9 : memref<128x128xf32, #tpu.memory_space<vmem>>) target(%dma_start3A_67 : memref<128x128xf32, #tpu.memory_space<vmem_shared>>) target_semaphore(%run_scoped3A_63 : memref<!tpu.dma_semaphore, #tpu.memory_space<semaphore_mem>>)
      %dma_wait3A = arith.constant 0 : i32
      %dma_wait3A_68 = tpu.memref_slice %arg11[%add3A_41, %dma_wait3A] : memref<10240x128xf32, #tpu.memory_space<vmem_shared>> -> memref<128x128xf32, #tpu.memory_space<vmem_shared>>
      %dma_wait3A_69 = arith.constant 0 : i32
      %dma_wait3A_70 = tpu.memref_slice %arg11[%add3A_41, %dma_wait3A_69] : memref<10240x128xf32, #tpu.memory_space<vmem_shared>> -> memref<128x128xf32, #tpu.memory_space<vmem_shared>>
      tpu.wait_dma2 semaphore(%run_scoped3A_63 : memref<!tpu.dma_semaphore, #tpu.memory_space<semaphore_mem>>) src(%arg9 : memref<128x128xf32, #tpu.memory_space<vmem>>) dst(%dma_wait3A_70 : memref<128x128xf32, #tpu.memory_space<vmem_shared>>)
      tpu.yield
    }) : () -> ()
    %dma_start3A_42 = arith.constant 0 : i32
    "tpu.trace_stop"() : () -> ()
    %dma_start3A_43 = arith.constant 0 : i32
    %dma_start3A_44 = tpu.memref_slice %arg6[%dma_start3A_42, %dma_start3A_43] : memref<16x128xi32, #tpu.memory_space<vmem>> -> memref<1x128xi32, #tpu.memory_space<vmem>>
    %dma_start3A_45 = tpu.memref_squeeze %dma_start3A_44 : memref<1x128xi32, #tpu.memory_space<vmem>> -> memref<128xi32, #tpu.memory_space<vmem>>
    %dma_start3A_46 = arith.constant 0 : i32
    %dma_start3A_47 = arith.constant 0 : i32
    %dma_start3A_48 = tpu.memref_slice %arg2[%dma_start3A_46, %dma_start3A_47] : memref<10000x128xf32, #tpu.memory_space<hbm>> -> memref<10000x128xf32, #tpu.memory_space<hbm>>
    tpu.enqueue_indirect_dma source(%dma_start3A_48 : memref<10000x128xf32, #tpu.memory_space<hbm>>) target(%arg9 : memref<128x128xf32, #tpu.memory_space<vmem>>) offsets(%dma_start3A_45 : memref<128xi32, #tpu.memory_space<vmem>>) semaphore(%arg12 : memref<!tpu.dma_semaphore, #tpu.memory_space<semaphore_mem>>)
    "tpu.trace_start"() <{level = 10 : i32, message = "phase_barrier1"}> : () -> ()
    %barrier3A = arith.constant 0 : index
    tpu.barrier barrier_id(%barrier3A)
    %broadcast_in_dim3A_49 = arith.constant 1.000000e+00 : f32
    "tpu.trace_stop"() : () -> ()
    %broadcast_in_dim3A_50 = vector.broadcast %broadcast_in_dim3A_49 : f32 to vector<16xf32>
    "tpu.trace_start"() <{level = 10 : i32, message = "phase_mainloop"}> : () -> ()
    %scan3A_51 = arith.constant 0 : i32
    %scan3A_52 = arith.constant 0 : i32
    %scan3A_53 = arith.constant 5 : i32
    %scan3A_54 = arith.addi %scan3A_52, %scan3A_53 : i32
    %scan3A_55 = arith.constant 1 : i32
    %scan3A_56 = scf.for %scan3A_63 = %scan3A_52 to %scan3A_54 step %scan3A_55 iter_args(%scan3A_64 = %scan3A_51) -> (i32)  : i32 {
      %scan3A_65 = arith.constant 0 : i32
      %scan3A_66 = arith.constant 0 : i32
      %scan3A_67 = arith.constant 7 : i32
      %scan3A_68 = arith.addi %scan3A_66, %scan3A_67 : i32
      %scan3A_69 = arith.constant 1 : i32
      %scan3A_70 = scf.for %scan3A_83 = %scan3A_66 to %scan3A_68 step %scan3A_69 iter_args(%scan3A_84 = %scan3A_65) -> (i32)  : i32 {
        %mul3A_85 = arith.constant 2 : i32
        %mul3A_86 = arith.muli %mul3A_85, %scan3A_83 : i32
        %dma_wait3A = arith.constant 0 : i32
        %dma_wait3A_87 = tpu.memref_slice %arg6[%mul3A_86, %dma_wait3A] : memref<16x128xi32, #tpu.memory_space<vmem>> -> memref<1x128xi32, #tpu.memory_space<vmem>>
        %dma_wait3A_88 = tpu.memref_squeeze %dma_wait3A_87 : memref<1x128xi32, #tpu.memory_space<vmem>> -> memref<128xi32, #tpu.memory_space<vmem>>
        %dma_wait3A_89 = arith.constant 0 : i32
        %dma_wait3A_90 = arith.constant 0 : i32
        %dma_wait3A_91 = tpu.memref_slice %arg2[%dma_wait3A_89, %dma_wait3A_90] : memref<10000x128xf32, #tpu.memory_space<hbm>> -> memref<10000x128xf32, #tpu.memory_space<hbm>>
        tpu.wait_indirect_dma semaphore(%arg12 : memref<!tpu.dma_semaphore, #tpu.memory_space<semaphore_mem>>) src(%dma_wait3A_91 : memref<10000x128xf32, #tpu.memory_space<hbm>>) dst(%arg9 : memref<128x128xf32, #tpu.memory_space<vmem>>)
        "tpu.region"() ({
          %run_scoped3A_198 = tpu.sem_alloc : memref<!tpu.dma_semaphore, #tpu.memory_space<semaphore_mem>>
          %dma_start3A_199 = arith.constant 0 : i32
          %dma_start3A_200 = tpu.memref_slice %arg7[%mul3A_86, %dma_start3A_199] : memref<16x128xi32, #tpu.memory_space<vmem>> -> memref<1x128xi32, #tpu.memory_space<vmem>>
          %dma_start3A_201 = tpu.memref_squeeze %dma_start3A_200 : memref<1x128xi32, #tpu.memory_space<vmem>> -> memref<128xi32, #tpu.memory_space<vmem>>
          %dma_start3A_202 = arith.constant 0 : i32
          %dma_start3A_203 = arith.constant 0 : i32
          %dma_start3A_204 = tpu.memref_slice %arg11[%dma_start3A_202, %dma_start3A_203] : memref<10240x128xf32, #tpu.memory_space<vmem_shared>> -> memref<10240x128xf32, #tpu.memory_space<vmem_shared>>
          tpu.enqueue_indirect_dma source(%arg9 : memref<128x128xf32, #tpu.memory_space<vmem>>) target(%dma_start3A_204 : memref<10240x128xf32, #tpu.memory_space<vmem_shared>>) offsets(%dma_start3A_201 : memref<128xi32, #tpu.memory_space<vmem>>) semaphore(%run_scoped3A_198 : memref<!tpu.dma_semaphore, #tpu.memory_space<semaphore_mem>>) {add = true}
          %dma_wait3A_205 = arith.constant 0 : i32
          %dma_wait3A_206 = tpu.memref_slice %arg7[%mul3A_86, %dma_wait3A_205] : memref<16x128xi32, #tpu.memory_space<vmem>> -> memref<1x128xi32, #tpu.memory_space<vmem>>
          %dma_wait3A_207 = tpu.memref_squeeze %dma_wait3A_206 : memref<1x128xi32, #tpu.memory_space<vmem>> -> memref<128xi32, #tpu.memory_space<vmem>>
          %dma_wait3A_208 = arith.constant 0 : i32
          %dma_wait3A_209 = arith.constant 0 : i32
          %dma_wait3A_210 = tpu.memref_slice %arg11[%dma_wait3A_208, %dma_wait3A_209] : memref<10240x128xf32, #tpu.memory_space<vmem_shared>> -> memref<10240x128xf32, #tpu.memory_space<vmem_shared>>
          tpu.wait_indirect_dma semaphore(%run_scoped3A_198 : memref<!tpu.dma_semaphore, #tpu.memory_space<semaphore_mem>>) src(%arg9 : memref<128x128xf32, #tpu.memory_space<vmem>>) dst(%dma_wait3A_210 : memref<10240x128xf32, #tpu.memory_space<vmem_shared>>)
          tpu.yield
        }) : () -> ()
        %add3A_92 = arith.constant 2 : i32
        %add3A_93 = arith.addi %mul3A_86, %add3A_92 : i32
        %dma_start3A_94 = arith.constant 0 : i32
        %dma_start3A_95 = tpu.memref_slice %arg6[%add3A_93, %dma_start3A_94] : memref<16x128xi32, #tpu.memory_space<vmem>> -> memref<1x128xi32, #tpu.memory_space<vmem>>
        %dma_start3A_96 = tpu.memref_squeeze %dma_start3A_95 : memref<1x128xi32, #tpu.memory_space<vmem>> -> memref<128xi32, #tpu.memory_space<vmem>>
        %dma_start3A_97 = arith.constant 0 : i32
        %dma_start3A_98 = arith.constant 0 : i32
        %dma_start3A_99 = tpu.memref_slice %arg2[%dma_start3A_97, %dma_start3A_98] : memref<10000x128xf32, #tpu.memory_space<hbm>> -> memref<10000x128xf32, #tpu.memory_space<hbm>>
        tpu.enqueue_indirect_dma source(%dma_start3A_99 : memref<10000x128xf32, #tpu.memory_space<hbm>>) target(%arg9 : memref<128x128xf32, #tpu.memory_space<vmem>>) offsets(%dma_start3A_96 : memref<128xi32, #tpu.memory_space<vmem>>) semaphore(%arg12 : memref<!tpu.dma_semaphore, #tpu.memory_space<semaphore_mem>>)
        %get3A = arith.constant 0 : i32
        %get3A_100 = tpu.memref_slice %arg7[%mul3A_86, %get3A] : memref<16x128xi32, #tpu.memory_space<vmem>> -> memref<1x128xi32, #tpu.memory_space<vmem>>
        %get3A_101 = tpu.memref_squeeze %get3A_100 : memref<1x128xi32, #tpu.memory_space<vmem>> -> memref<128xi32, #tpu.memory_space<vmem>>
        %get3A_102 = arith.constant 0 : index
        %get3A_103 = tpu.vector_load %get3A_101[%get3A_102] {strides = array<i32>} : memref<128xi32, #tpu.memory_space<vmem>>, vector<16xi32>,
        tpu.vector_store_idx %arg8[%get3A_103], %broadcast_in_dim3A_50 {add = true} : memref<10240xf32, #tpu.memory_space<vmem>>[vector<16xi32>], vector<16xf32>,
        %get3A_104 = arith.constant 0 : i32
        %get3A_105 = tpu.memref_slice %arg7[%mul3A_86, %get3A_104] : memref<16x128xi32, #tpu.memory_space<vmem>> -> memref<1x128xi32, #tpu.memory_space<vmem>>
        %get3A_106 = tpu.memref_squeeze %get3A_105 : memref<1x128xi32, #tpu.memory_space<vmem>> -> memref<128xi32, #tpu.memory_space<vmem>>
        %get3A_107 = arith.constant 16 : index
        %get3A_108 = tpu.vector_load %get3A_106[%get3A_107] {strides = array<i32>} : memref<128xi32, #tpu.memory_space<vmem>>, vector<16xi32>,
        tpu.vector_store_idx %arg8[%get3A_108], %broadcast_in_dim3A_50 {add = true} : memref<10240xf32, #tpu.memory_space<vmem>>[vector<16xi32>], vector<16xf32>,
        %get3A_109 = arith.constant 0 : i32
        %get3A_110 = tpu.memref_slice %arg7[%mul3A_86, %get3A_109] : memref<16x128xi32, #tpu.memory_space<vmem>> -> memref<1x128xi32, #tpu.memory_space<vmem>>
        %get3A_111 = tpu.memref_squeeze %get3A_110 : memref<1x128xi32, #tpu.memory_space<vmem>> -> memref<128xi32, #tpu.memory_space<vmem>>
        %get3A_112 = arith.constant 32 : index
        %get3A_113 = tpu.vector_load %get3A_111[%get3A_112] {strides = array<i32>} : memref<128xi32, #tpu.memory_space<vmem>>, vector<16xi32>,
        tpu.vector_store_idx %arg8[%get3A_113], %broadcast_in_dim3A_50 {add = true} : memref<10240xf32, #tpu.memory_space<vmem>>[vector<16xi32>], vector<16xf32>,
        %get3A_114 = arith.constant 0 : i32
        %get3A_115 = tpu.memref_slice %arg7[%mul3A_86, %get3A_114] : memref<16x128xi32, #tpu.memory_space<vmem>> -> memref<1x128xi32, #tpu.memory_space<vmem>>
        %get3A_116 = tpu.memref_squeeze %get3A_115 : memref<1x128xi32, #tpu.memory_space<vmem>> -> memref<128xi32, #tpu.memory_space<vmem>>
        %get3A_117 = arith.constant 48 : index
        %get3A_118 = tpu.vector_load %get3A_116[%get3A_117] {strides = array<i32>} : memref<128xi32, #tpu.memory_space<vmem>>, vector<16xi32>,
        tpu.vector_store_idx %arg8[%get3A_118], %broadcast_in_dim3A_50 {add = true} : memref<10240xf32, #tpu.memory_space<vmem>>[vector<16xi32>], vector<16xf32>,
        %get3A_119 = arith.constant 0 : i32
        %get3A_120 = tpu.memref_slice %arg7[%mul3A_86, %get3A_119] : memref<16x128xi32, #tpu.memory_space<vmem>> -> memref<1x128xi32, #tpu.memory_space<vmem>>
        %get3A_121 = tpu.memref_squeeze %get3A_120 : memref<1x128xi32, #tpu.memory_space<vmem>> -> memref<128xi32, #tpu.memory_space<vmem>>
        %get3A_122 = arith.constant 64 : index
        %get3A_123 = tpu.vector_load %get3A_121[%get3A_122] {strides = array<i32>} : memref<128xi32, #tpu.memory_space<vmem>>, vector<16xi32>,
        tpu.vector_store_idx %arg8[%get3A_123], %broadcast_in_dim3A_50 {add = true} : memref<10240xf32, #tpu.memory_space<vmem>>[vector<16xi32>], vector<16xf32>,
        %get3A_124 = arith.constant 0 : i32
        %get3A_125 = tpu.memref_slice %arg7[%mul3A_86, %get3A_124] : memref<16x128xi32, #tpu.memory_space<vmem>> -> memref<1x128xi32, #tpu.memory_space<vmem>>
        %get3A_126 = tpu.memref_squeeze %get3A_125 : memref<1x128xi32, #tpu.memory_space<vmem>> -> memref<128xi32, #tpu.memory_space<vmem>>
        %get3A_127 = arith.constant 80 : index
        %get3A_128 = tpu.vector_load %get3A_126[%get3A_127] {strides = array<i32>} : memref<128xi32, #tpu.memory_space<vmem>>, vector<16xi32>,
        tpu.vector_store_idx %arg8[%get3A_128], %broadcast_in_dim3A_50 {add = true} : memref<10240xf32, #tpu.memory_space<vmem>>[vector<16xi32>], vector<16xf32>,
        %get3A_129 = arith.constant 0 : i32
        %get3A_130 = tpu.memref_slice %arg7[%mul3A_86, %get3A_129] : memref<16x128xi32, #tpu.memory_space<vmem>> -> memref<1x128xi32, #tpu.memory_space<vmem>>
        %get3A_131 = tpu.memref_squeeze %get3A_130 : memref<1x128xi32, #tpu.memory_space<vmem>> -> memref<128xi32, #tpu.memory_space<vmem>>
        %get3A_132 = arith.constant 96 : index
        %get3A_133 = tpu.vector_load %get3A_131[%get3A_132] {strides = array<i32>} : memref<128xi32, #tpu.memory_space<vmem>>, vector<16xi32>,
        tpu.vector_store_idx %arg8[%get3A_133], %broadcast_in_dim3A_50 {add = true} : memref<10240xf32, #tpu.memory_space<vmem>>[vector<16xi32>], vector<16xf32>,
        %get3A_134 = arith.constant 0 : i32
        %get3A_135 = tpu.memref_slice %arg7[%mul3A_86, %get3A_134] : memref<16x128xi32, #tpu.memory_space<vmem>> -> memref<1x128xi32, #tpu.memory_space<vmem>>
        %get3A_136 = tpu.memref_squeeze %get3A_135 : memref<1x128xi32, #tpu.memory_space<vmem>> -> memref<128xi32, #tpu.memory_space<vmem>>
        %get3A_137 = arith.constant 112 : index
        %get3A_138 = tpu.vector_load %get3A_136[%get3A_137] {strides = array<i32>} : memref<128xi32, #tpu.memory_space<vmem>>, vector<16xi32>,
        tpu.vector_store_idx %arg8[%get3A_138], %broadcast_in_dim3A_50 {add = true} : memref<10240xf32, #tpu.memory_space<vmem>>[vector<16xi32>], vector<16xf32>,
        %mul3A_139 = arith.constant 2 : i32
        %mul3A_140 = arith.muli %mul3A_139, %scan3A_83 : i32
        %add3A_141 = arith.constant 1 : i32
        %add3A_142 = arith.addi %mul3A_140, %add3A_141 : i32
        %dma_wait3A_143 = arith.constant 0 : i32
        %dma_wait3A_144 = tpu.memref_slice %arg6[%add3A_142, %dma_wait3A_143] : memref<16x128xi32, #tpu.memory_space<vmem>> -> memref<1x128xi32, #tpu.memory_space<vmem>>
        %dma_wait3A_145 = tpu.memref_squeeze %dma_wait3A_144 : memref<1x128xi32, #tpu.memory_space<vmem>> -> memref<128xi32, #tpu.memory_space<vmem>>
        %dma_wait3A_146 = arith.constant 0 : i32
        %dma_wait3A_147 = arith.constant 0 : i32
        %dma_wait3A_148 = tpu.memref_slice %arg2[%dma_wait3A_146, %dma_wait3A_147] : memref<10000x128xf32, #tpu.memory_space<hbm>> -> memref<10000x128xf32, #tpu.memory_space<hbm>>
        tpu.wait_indirect_dma semaphore(%arg13 : memref<!tpu.dma_semaphore, #tpu.memory_space<semaphore_mem>>) src(%dma_wait3A_148 : memref<10000x128xf32, #tpu.memory_space<hbm>>) dst(%arg10 : memref<128x128xf32, #tpu.memory_space<vmem>>)
        "tpu.region"() ({
          %run_scoped3A_198 = tpu.sem_alloc : memref<!tpu.dma_semaphore, #tpu.memory_space<semaphore_mem>>
          %dma_start3A_199 = arith.constant 0 : i32
          %dma_start3A_200 = tpu.memref_slice %arg7[%add3A_142, %dma_start3A_199] : memref<16x128xi32, #tpu.memory_space<vmem>> -> memref<1x128xi32, #tpu.memory_space<vmem>>
          %dma_start3A_201 = tpu.memref_squeeze %dma_start3A_200 : memref<1x128xi32, #tpu.memory_space<vmem>> -> memref<128xi32, #tpu.memory_space<vmem>>
          %dma_start3A_202 = arith.constant 0 : i32
          %dma_start3A_203 = arith.constant 0 : i32
          %dma_start3A_204 = tpu.memref_slice %arg11[%dma_start3A_202, %dma_start3A_203] : memref<10240x128xf32, #tpu.memory_space<vmem_shared>> -> memref<10240x128xf32, #tpu.memory_space<vmem_shared>>
          tpu.enqueue_indirect_dma source(%arg10 : memref<128x128xf32, #tpu.memory_space<vmem>>) target(%dma_start3A_204 : memref<10240x128xf32, #tpu.memory_space<vmem_shared>>) offsets(%dma_start3A_201 : memref<128xi32, #tpu.memory_space<vmem>>) semaphore(%run_scoped3A_198 : memref<!tpu.dma_semaphore, #tpu.memory_space<semaphore_mem>>) {add = true}
          %dma_wait3A_205 = arith.constant 0 : i32
          %dma_wait3A_206 = tpu.memref_slice %arg7[%add3A_142, %dma_wait3A_205] : memref<16x128xi32, #tpu.memory_space<vmem>> -> memref<1x128xi32, #tpu.memory_space<vmem>>
          %dma_wait3A_207 = tpu.memref_squeeze %dma_wait3A_206 : memref<1x128xi32, #tpu.memory_space<vmem>> -> memref<128xi32, #tpu.memory_space<vmem>>
          %dma_wait3A_208 = arith.constant 0 : i32
          %dma_wait3A_209 = arith.constant 0 : i32
          %dma_wait3A_210 = tpu.memref_slice %arg11[%dma_wait3A_208, %dma_wait3A_209] : memref<10240x128xf32, #tpu.memory_space<vmem_shared>> -> memref<10240x128xf32, #tpu.memory_space<vmem_shared>>
          tpu.wait_indirect_dma semaphore(%run_scoped3A_198 : memref<!tpu.dma_semaphore, #tpu.memory_space<semaphore_mem>>) src(%arg10 : memref<128x128xf32, #tpu.memory_space<vmem>>) dst(%dma_wait3A_210 : memref<10240x128xf32, #tpu.memory_space<vmem_shared>>)
          tpu.yield
        }) : () -> ()
        %add3A_149 = arith.constant 2 : i32
        %add3A_150 = arith.addi %add3A_142, %add3A_149 : i32
        %dma_start3A_151 = arith.constant 0 : i32
        %dma_start3A_152 = tpu.memref_slice %arg6[%add3A_150, %dma_start3A_151] : memref<16x128xi32, #tpu.memory_space<vmem>> -> memref<1x128xi32, #tpu.memory_space<vmem>>
        %dma_start3A_153 = tpu.memref_squeeze %dma_start3A_152 : memref<1x128xi32, #tpu.memory_space<vmem>> -> memref<128xi32, #tpu.memory_space<vmem>>
        %dma_start3A_154 = arith.constant 0 : i32
        %dma_start3A_155 = arith.constant 0 : i32
        %dma_start3A_156 = tpu.memref_slice %arg2[%dma_start3A_154, %dma_start3A_155] : memref<10000x128xf32, #tpu.memory_space<hbm>> -> memref<10000x128xf32, #tpu.memory_space<hbm>>
        tpu.enqueue_indirect_dma source(%dma_start3A_156 : memref<10000x128xf32, #tpu.memory_space<hbm>>) target(%arg10 : memref<128x128xf32, #tpu.memory_space<vmem>>) offsets(%dma_start3A_153 : memref<128xi32, #tpu.memory_space<vmem>>) semaphore(%arg13 : memref<!tpu.dma_semaphore, #tpu.memory_space<semaphore_mem>>)
        %get3A_157 = arith.constant 0 : i32
        %get3A_158 = tpu.memref_slice %arg7[%add3A_142, %get3A_157] : memref<16x128xi32, #tpu.memory_space<vmem>> -> memref<1x128xi32, #tpu.memory_space<vmem>>
        %get3A_159 = tpu.memref_squeeze %get3A_158 : memref<1x128xi32, #tpu.memory_space<vmem>> -> memref<128xi32, #tpu.memory_space<vmem>>
        %get3A_160 = arith.constant 0 : index
        %get3A_161 = tpu.vector_load %get3A_159[%get3A_160] {strides = array<i32>} : memref<128xi32, #tpu.memory_space<vmem>>, vector<16xi32>,
        tpu.vector_store_idx %arg8[%get3A_161], %broadcast_in_dim3A_50 {add = true} : memref<10240xf32, #tpu.memory_space<vmem>>[vector<16xi32>], vector<16xf32>,
        %get3A_162 = arith.constant 0 : i32
        %get3A_163 = tpu.memref_slice %arg7[%add3A_142, %get3A_162] : memref<16x128xi32, #tpu.memory_space<vmem>> -> memref<1x128xi32, #tpu.memory_space<vmem>>
        %get3A_164 = tpu.memref_squeeze %get3A_163 : memref<1x128xi32, #tpu.memory_space<vmem>> -> memref<128xi32, #tpu.memory_space<vmem>>
        %get3A_165 = arith.constant 16 : index
        %get3A_166 = tpu.vector_load %get3A_164[%get3A_165] {strides = array<i32>} : memref<128xi32, #tpu.memory_space<vmem>>, vector<16xi32>,
        tpu.vector_store_idx %arg8[%get3A_166], %broadcast_in_dim3A_50 {add = true} : memref<10240xf32, #tpu.memory_space<vmem>>[vector<16xi32>], vector<16xf32>,
        %get3A_167 = arith.constant 0 : i32
        %get3A_168 = tpu.memref_slice %arg7[%add3A_142, %get3A_167] : memref<16x128xi32, #tpu.memory_space<vmem>> -> memref<1x128xi32, #tpu.memory_space<vmem>>
        %get3A_169 = tpu.memref_squeeze %get3A_168 : memref<1x128xi32, #tpu.memory_space<vmem>> -> memref<128xi32, #tpu.memory_space<vmem>>
        %get3A_170 = arith.constant 32 : index
        %get3A_171 = tpu.vector_load %get3A_169[%get3A_170] {strides = array<i32>} : memref<128xi32, #tpu.memory_space<vmem>>, vector<16xi32>,
        tpu.vector_store_idx %arg8[%get3A_171], %broadcast_in_dim3A_50 {add = true} : memref<10240xf32, #tpu.memory_space<vmem>>[vector<16xi32>], vector<16xf32>,
        %get3A_172 = arith.constant 0 : i32
        %get3A_173 = tpu.memref_slice %arg7[%add3A_142, %get3A_172] : memref<16x128xi32, #tpu.memory_space<vmem>> -> memref<1x128xi32, #tpu.memory_space<vmem>>
        %get3A_174 = tpu.memref_squeeze %get3A_173 : memref<1x128xi32, #tpu.memory_space<vmem>> -> memref<128xi32, #tpu.memory_space<vmem>>
        %get3A_175 = arith.constant 48 : index
        %get3A_176 = tpu.vector_load %get3A_174[%get3A_175] {strides = array<i32>} : memref<128xi32, #tpu.memory_space<vmem>>, vector<16xi32>,
        tpu.vector_store_idx %arg8[%get3A_176], %broadcast_in_dim3A_50 {add = true} : memref<10240xf32, #tpu.memory_space<vmem>>[vector<16xi32>], vector<16xf32>,
        %get3A_177 = arith.constant 0 : i32
        %get3A_178 = tpu.memref_slice %arg7[%add3A_142, %get3A_177] : memref<16x128xi32, #tpu.memory_space<vmem>> -> memref<1x128xi32, #tpu.memory_space<vmem>>
        %get3A_179 = tpu.memref_squeeze %get3A_178 : memref<1x128xi32, #tpu.memory_space<vmem>> -> memref<128xi32, #tpu.memory_space<vmem>>
        %get3A_180 = arith.constant 64 : index
        %get3A_181 = tpu.vector_load %get3A_179[%get3A_180] {strides = array<i32>} : memref<128xi32, #tpu.memory_space<vmem>>, vector<16xi32>,
        tpu.vector_store_idx %arg8[%get3A_181], %broadcast_in_dim3A_50 {add = true} : memref<10240xf32, #tpu.memory_space<vmem>>[vector<16xi32>], vector<16xf32>,
        %get3A_182 = arith.constant 0 : i32
        %get3A_183 = tpu.memref_slice %arg7[%add3A_142, %get3A_182] : memref<16x128xi32, #tpu.memory_space<vmem>> -> memref<1x128xi32, #tpu.memory_space<vmem>>
        %get3A_184 = tpu.memref_squeeze %get3A_183 : memref<1x128xi32, #tpu.memory_space<vmem>> -> memref<128xi32, #tpu.memory_space<vmem>>
        %get3A_185 = arith.constant 80 : index
        %get3A_186 = tpu.vector_load %get3A_184[%get3A_185] {strides = array<i32>} : memref<128xi32, #tpu.memory_space<vmem>>, vector<16xi32>,
        tpu.vector_store_idx %arg8[%get3A_186], %broadcast_in_dim3A_50 {add = true} : memref<10240xf32, #tpu.memory_space<vmem>>[vector<16xi32>], vector<16xf32>,
        %get3A_187 = arith.constant 0 : i32
        %get3A_188 = tpu.memref_slice %arg7[%add3A_142, %get3A_187] : memref<16x128xi32, #tpu.memory_space<vmem>> -> memref<1x128xi32, #tpu.memory_space<vmem>>
        %get3A_189 = tpu.memref_squeeze %get3A_188 : memref<1x128xi32, #tpu.memory_space<vmem>> -> memref<128xi32, #tpu.memory_space<vmem>>
        %get3A_190 = arith.constant 96 : index
        %get3A_191 = tpu.vector_load %get3A_189[%get3A_190] {strides = array<i32>} : memref<128xi32, #tpu.memory_space<vmem>>, vector<16xi32>,
        tpu.vector_store_idx %arg8[%get3A_191], %broadcast_in_dim3A_50 {add = true} : memref<10240xf32, #tpu.memory_space<vmem>>[vector<16xi32>], vector<16xf32>,
        %get3A_192 = arith.constant 0 : i32
        %get3A_193 = tpu.memref_slice %arg7[%add3A_142, %get3A_192] : memref<16x128xi32, #tpu.memory_space<vmem>> -> memref<1x128xi32, #tpu.memory_space<vmem>>
        %get3A_194 = tpu.memref_squeeze %get3A_193 : memref<1x128xi32, #tpu.memory_space<vmem>> -> memref<128xi32, #tpu.memory_space<vmem>>
        %get3A_195 = arith.constant 112 : index
        %get3A_196 = tpu.vector_load %get3A_194[%get3A_195] {strides = array<i32>} : memref<128xi32, #tpu.memory_space<vmem>>, vector<16xi32>,
        tpu.vector_store_idx %arg8[%get3A_196], %broadcast_in_dim3A_50 {add = true} : memref<10240xf32, #tpu.memory_space<vmem>>[vector<16xi32>], vector<16xf32>,
        %scan3A_197 = arith.constant 0 : i32
        scf.yield %scan3A_197 : i32
      }
      %scan3A_71 = arith.constant 7 : i32
      %add3A_72 = arith.constant 1 : i32
      %add3A_73 = arith.addi %scan3A_63, %add3A_72 : i32
      %lt3A = arith.constant 5 : i32
      %lt3A_74 = arith.cmpi slt, %add3A_73, %lt3A : i32
      %convert_element_type3A = arith.extui %lt3A_74 : i1 to i32
      %cond3A = arith.constant 0 : i32
      %cond3A_75 = arith.cmpi ne, %convert_element_type3A, %cond3A : i32
      scf.if %cond3A_75 {
        %dma_wait3A = arith.constant 14 : i32
        %dma_wait3A_83 = arith.constant 0 : i32
        %dma_wait3A_84 = tpu.memref_slice %arg6[%dma_wait3A, %dma_wait3A_83] : memref<16x128xi32, #tpu.memory_space<vmem>> -> memref<1x128xi32, #tpu.memory_space<vmem>>
        %dma_wait3A_85 = tpu.memref_squeeze %dma_wait3A_84 : memref<1x128xi32, #tpu.memory_space<vmem>> -> memref<128xi32, #tpu.memory_space<vmem>>
        %dma_wait3A_86 = arith.constant 0 : i32
        %dma_wait3A_87 = arith.constant 0 : i32
        %dma_wait3A_88 = tpu.memref_slice %arg2[%dma_wait3A_86, %dma_wait3A_87] : memref<10000x128xf32, #tpu.memory_space<hbm>> -> memref<10000x128xf32, #tpu.memory_space<hbm>>
        tpu.wait_indirect_dma semaphore(%arg12 : memref<!tpu.dma_semaphore, #tpu.memory_space<semaphore_mem>>) src(%dma_wait3A_88 : memref<10000x128xf32, #tpu.memory_space<hbm>>) dst(%arg9 : memref<128x128xf32, #tpu.memory_space<vmem>>)
        %run_scoped3A_89 = arith.constant 14 : i32
        "tpu.region"() ({
          %run_scoped3A_217 = tpu.sem_alloc : memref<!tpu.dma_semaphore, #tpu.memory_space<semaphore_mem>>
          %dma_start3A_218 = arith.constant 0 : i32
          %dma_start3A_219 = tpu.memref_slice %arg7[%run_scoped3A_89, %dma_start3A_218] : memref<16x128xi32, #tpu.memory_space<vmem>> -> memref<1x128xi32, #tpu.memory_space<vmem>>
          %dma_start3A_220 = tpu.memref_squeeze %dma_start3A_219 : memref<1x128xi32, #tpu.memory_space<vmem>> -> memref<128xi32, #tpu.memory_space<vmem>>
          %dma_start3A_221 = arith.constant 0 : i32
          %dma_start3A_222 = arith.constant 0 : i32
          %dma_start3A_223 = tpu.memref_slice %arg11[%dma_start3A_221, %dma_start3A_222] : memref<10240x128xf32, #tpu.memory_space<vmem_shared>> -> memref<10240x128xf32, #tpu.memory_space<vmem_shared>>
          tpu.enqueue_indirect_dma source(%arg9 : memref<128x128xf32, #tpu.memory_space<vmem>>) target(%dma_start3A_223 : memref<10240x128xf32, #tpu.memory_space<vmem_shared>>) offsets(%dma_start3A_220 : memref<128xi32, #tpu.memory_space<vmem>>) semaphore(%run_scoped3A_217 : memref<!tpu.dma_semaphore, #tpu.memory_space<semaphore_mem>>) {add = true}
          %dma_wait3A_224 = arith.constant 0 : i32
          %dma_wait3A_225 = tpu.memref_slice %arg7[%run_scoped3A_89, %dma_wait3A_224] : memref<16x128xi32, #tpu.memory_space<vmem>> -> memref<1x128xi32, #tpu.memory_space<vmem>>
          %dma_wait3A_226 = tpu.memref_squeeze %dma_wait3A_225 : memref<1x128xi32, #tpu.memory_space<vmem>> -> memref<128xi32, #tpu.memory_space<vmem>>
          %dma_wait3A_227 = arith.constant 0 : i32
          %dma_wait3A_228 = arith.constant 0 : i32
          %dma_wait3A_229 = tpu.memref_slice %arg11[%dma_wait3A_227, %dma_wait3A_228] : memref<10240x128xf32, #tpu.memory_space<vmem_shared>> -> memref<10240x128xf32, #tpu.memory_space<vmem_shared>>
          tpu.wait_indirect_dma semaphore(%run_scoped3A_217 : memref<!tpu.dma_semaphore, #tpu.memory_space<semaphore_mem>>) src(%arg9 : memref<128x128xf32, #tpu.memory_space<vmem>>) dst(%dma_wait3A_229 : memref<10240x128xf32, #tpu.memory_space<vmem_shared>>)
          tpu.yield
        }) : () -> ()
        %get3A = arith.constant 14 : i32
        %get3A_90 = arith.constant 0 : i32
        %get3A_91 = tpu.memref_slice %arg7[%get3A, %get3A_90] : memref<16x128xi32, #tpu.memory_space<vmem>> -> memref<1x128xi32, #tpu.memory_space<vmem>>
        %get3A_92 = tpu.memref_squeeze %get3A_91 : memref<1x128xi32, #tpu.memory_space<vmem>> -> memref<128xi32, #tpu.memory_space<vmem>>
        %get3A_93 = arith.constant 0 : index
        %get3A_94 = tpu.vector_load %get3A_92[%get3A_93] {strides = array<i32>} : memref<128xi32, #tpu.memory_space<vmem>>, vector<16xi32>,
        tpu.vector_store_idx %arg8[%get3A_94], %broadcast_in_dim3A_50 {add = true} : memref<10240xf32, #tpu.memory_space<vmem>>[vector<16xi32>], vector<16xf32>,
        %get3A_95 = arith.constant 14 : i32
        %get3A_96 = arith.constant 0 : i32
        %get3A_97 = tpu.memref_slice %arg7[%get3A_95, %get3A_96] : memref<16x128xi32, #tpu.memory_space<vmem>> -> memref<1x128xi32, #tpu.memory_space<vmem>>
        %get3A_98 = tpu.memref_squeeze %get3A_97 : memref<1x128xi32, #tpu.memory_space<vmem>> -> memref<128xi32, #tpu.memory_space<vmem>>
        %get3A_99 = arith.constant 16 : index
        %get3A_100 = tpu.vector_load %get3A_98[%get3A_99] {strides = array<i32>} : memref<128xi32, #tpu.memory_space<vmem>>, vector<16xi32>,
        tpu.vector_store_idx %arg8[%get3A_100], %broadcast_in_dim3A_50 {add = true} : memref<10240xf32, #tpu.memory_space<vmem>>[vector<16xi32>], vector<16xf32>,
        %get3A_101 = arith.constant 14 : i32
        %get3A_102 = arith.constant 0 : i32
        %get3A_103 = tpu.memref_slice %arg7[%get3A_101, %get3A_102] : memref<16x128xi32, #tpu.memory_space<vmem>> -> memref<1x128xi32, #tpu.memory_space<vmem>>
        %get3A_104 = tpu.memref_squeeze %get3A_103 : memref<1x128xi32, #tpu.memory_space<vmem>> -> memref<128xi32, #tpu.memory_space<vmem>>
        %get3A_105 = arith.constant 32 : index
        %get3A_106 = tpu.vector_load %get3A_104[%get3A_105] {strides = array<i32>} : memref<128xi32, #tpu.memory_space<vmem>>, vector<16xi32>,
        tpu.vector_store_idx %arg8[%get3A_106], %broadcast_in_dim3A_50 {add = true} : memref<10240xf32, #tpu.memory_space<vmem>>[vector<16xi32>], vector<16xf32>,
        %get3A_107 = arith.constant 14 : i32
        %get3A_108 = arith.constant 0 : i32
        %get3A_109 = tpu.memref_slice %arg7[%get3A_107, %get3A_108] : memref<16x128xi32, #tpu.memory_space<vmem>> -> memref<1x128xi32, #tpu.memory_space<vmem>>
        %get3A_110 = tpu.memref_squeeze %get3A_109 : memref<1x128xi32, #tpu.memory_space<vmem>> -> memref<128xi32, #tpu.memory_space<vmem>>
        %get3A_111 = arith.constant 48 : index
        %get3A_112 = tpu.vector_load %get3A_110[%get3A_111] {strides = array<i32>} : memref<128xi32, #tpu.memory_space<vmem>>, vector<16xi32>,
        tpu.vector_store_idx %arg8[%get3A_112], %broadcast_in_dim3A_50 {add = true} : memref<10240xf32, #tpu.memory_space<vmem>>[vector<16xi32>], vector<16xf32>,
        %get3A_113 = arith.constant 14 : i32
        %get3A_114 = arith.constant 0 : i32
        %get3A_115 = tpu.memref_slice %arg7[%get3A_113, %get3A_114] : memref<16x128xi32, #tpu.memory_space<vmem>> -> memref<1x128xi32, #tpu.memory_space<vmem>>
        %get3A_116 = tpu.memref_squeeze %get3A_115 : memref<1x128xi32, #tpu.memory_space<vmem>> -> memref<128xi32, #tpu.memory_space<vmem>>
        %get3A_117 = arith.constant 64 : index
        %get3A_118 = tpu.vector_load %get3A_116[%get3A_117] {strides = array<i32>} : memref<128xi32, #tpu.memory_space<vmem>>, vector<16xi32>,
        tpu.vector_store_idx %arg8[%get3A_118], %broadcast_in_dim3A_50 {add = true} : memref<10240xf32, #tpu.memory_space<vmem>>[vector<16xi32>], vector<16xf32>,
        %get3A_119 = arith.constant 14 : i32
        %get3A_120 = arith.constant 0 : i32
        %get3A_121 = tpu.memref_slice %arg7[%get3A_119, %get3A_120] : memref<16x128xi32, #tpu.memory_space<vmem>> -> memref<1x128xi32, #tpu.memory_space<vmem>>
        %get3A_122 = tpu.memref_squeeze %get3A_121 : memref<1x128xi32, #tpu.memory_space<vmem>> -> memref<128xi32, #tpu.memory_space<vmem>>
        %get3A_123 = arith.constant 80 : index
        %get3A_124 = tpu.vector_load %get3A_122[%get3A_123] {strides = array<i32>} : memref<128xi32, #tpu.memory_space<vmem>>, vector<16xi32>,
        tpu.vector_store_idx %arg8[%get3A_124], %broadcast_in_dim3A_50 {add = true} : memref<10240xf32, #tpu.memory_space<vmem>>[vector<16xi32>], vector<16xf32>,
        %get3A_125 = arith.constant 14 : i32
        %get3A_126 = arith.constant 0 : i32
        %get3A_127 = tpu.memref_slice %arg7[%get3A_125, %get3A_126] : memref<16x128xi32, #tpu.memory_space<vmem>> -> memref<1x128xi32, #tpu.memory_space<vmem>>
        %get3A_128 = tpu.memref_squeeze %get3A_127 : memref<1x128xi32, #tpu.memory_space<vmem>> -> memref<128xi32, #tpu.memory_space<vmem>>
        %get3A_129 = arith.constant 96 : index
        %get3A_130 = tpu.vector_load %get3A_128[%get3A_129] {strides = array<i32>} : memref<128xi32, #tpu.memory_space<vmem>>, vector<16xi32>,
        tpu.vector_store_idx %arg8[%get3A_130], %broadcast_in_dim3A_50 {add = true} : memref<10240xf32, #tpu.memory_space<vmem>>[vector<16xi32>], vector<16xf32>,
        %get3A_131 = arith.constant 14 : i32
        %get3A_132 = arith.constant 0 : i32
        %get3A_133 = tpu.memref_slice %arg7[%get3A_131, %get3A_132] : memref<16x128xi32, #tpu.memory_space<vmem>> -> memref<1x128xi32, #tpu.memory_space<vmem>>
        %get3A_134 = tpu.memref_squeeze %get3A_133 : memref<1x128xi32, #tpu.memory_space<vmem>> -> memref<128xi32, #tpu.memory_space<vmem>>
        %get3A_135 = arith.constant 112 : index
        %get3A_136 = tpu.vector_load %get3A_134[%get3A_135] {strides = array<i32>} : memref<128xi32, #tpu.memory_space<vmem>>, vector<16xi32>,
        tpu.vector_store_idx %arg8[%get3A_136], %broadcast_in_dim3A_50 {add = true} : memref<10240xf32, #tpu.memory_space<vmem>>[vector<16xi32>], vector<16xf32>,
        %dma_wait3A_137 = arith.constant 15 : i32
        %dma_wait3A_138 = arith.constant 0 : i32
        %dma_wait3A_139 = tpu.memref_slice %arg6[%dma_wait3A_137, %dma_wait3A_138] : memref<16x128xi32, #tpu.memory_space<vmem>> -> memref<1x128xi32, #tpu.memory_space<vmem>>
        %dma_wait3A_140 = tpu.memref_squeeze %dma_wait3A_139 : memref<1x128xi32, #tpu.memory_space<vmem>> -> memref<128xi32, #tpu.memory_space<vmem>>
        %dma_wait3A_141 = arith.constant 0 : i32
        %dma_wait3A_142 = arith.constant 0 : i32
        %dma_wait3A_143 = tpu.memref_slice %arg2[%dma_wait3A_141, %dma_wait3A_142] : memref<10000x128xf32, #tpu.memory_space<hbm>> -> memref<10000x128xf32, #tpu.memory_space<hbm>>
        tpu.wait_indirect_dma semaphore(%arg13 : memref<!tpu.dma_semaphore, #tpu.memory_space<semaphore_mem>>) src(%dma_wait3A_143 : memref<10000x128xf32, #tpu.memory_space<hbm>>) dst(%arg10 : memref<128x128xf32, #tpu.memory_space<vmem>>)
        %run_scoped3A_144 = arith.constant 15 : i32
        "tpu.region"() ({
          %run_scoped3A_217 = tpu.sem_alloc : memref<!tpu.dma_semaphore, #tpu.memory_space<semaphore_mem>>
          %dma_start3A_218 = arith.constant 0 : i32
          %dma_start3A_219 = tpu.memref_slice %arg7[%run_scoped3A_144, %dma_start3A_218] : memref<16x128xi32, #tpu.memory_space<vmem>> -> memref<1x128xi32, #tpu.memory_space<vmem>>
          %dma_start3A_220 = tpu.memref_squeeze %dma_start3A_219 : memref<1x128xi32, #tpu.memory_space<vmem>> -> memref<128xi32, #tpu.memory_space<vmem>>
          %dma_start3A_221 = arith.constant 0 : i32
          %dma_start3A_222 = arith.constant 0 : i32
          %dma_start3A_223 = tpu.memref_slice %arg11[%dma_start3A_221, %dma_start3A_222] : memref<10240x128xf32, #tpu.memory_space<vmem_shared>> -> memref<10240x128xf32, #tpu.memory_space<vmem_shared>>
          tpu.enqueue_indirect_dma source(%arg10 : memref<128x128xf32, #tpu.memory_space<vmem>>) target(%dma_start3A_223 : memref<10240x128xf32, #tpu.memory_space<vmem_shared>>) offsets(%dma_start3A_220 : memref<128xi32, #tpu.memory_space<vmem>>) semaphore(%run_scoped3A_217 : memref<!tpu.dma_semaphore, #tpu.memory_space<semaphore_mem>>) {add = true}
          %dma_wait3A_224 = arith.constant 0 : i32
          %dma_wait3A_225 = tpu.memref_slice %arg7[%run_scoped3A_144, %dma_wait3A_224] : memref<16x128xi32, #tpu.memory_space<vmem>> -> memref<1x128xi32, #tpu.memory_space<vmem>>
          %dma_wait3A_226 = tpu.memref_squeeze %dma_wait3A_225 : memref<1x128xi32, #tpu.memory_space<vmem>> -> memref<128xi32, #tpu.memory_space<vmem>>
          %dma_wait3A_227 = arith.constant 0 : i32
          %dma_wait3A_228 = arith.constant 0 : i32
          %dma_wait3A_229 = tpu.memref_slice %arg11[%dma_wait3A_227, %dma_wait3A_228] : memref<10240x128xf32, #tpu.memory_space<vmem_shared>> -> memref<10240x128xf32, #tpu.memory_space<vmem_shared>>
          tpu.wait_indirect_dma semaphore(%run_scoped3A_217 : memref<!tpu.dma_semaphore, #tpu.memory_space<semaphore_mem>>) src(%arg10 : memref<128x128xf32, #tpu.memory_space<vmem>>) dst(%dma_wait3A_229 : memref<10240x128xf32, #tpu.memory_space<vmem_shared>>)
          tpu.yield
        }) : () -> ()
        %get3A_145 = arith.constant 15 : i32
        %get3A_146 = arith.constant 0 : i32
        %get3A_147 = tpu.memref_slice %arg7[%get3A_145, %get3A_146] : memref<16x128xi32, #tpu.memory_space<vmem>> -> memref<1x128xi32, #tpu.memory_space<vmem>>
        %get3A_148 = tpu.memref_squeeze %get3A_147 : memref<1x128xi32, #tpu.memory_space<vmem>> -> memref<128xi32, #tpu.memory_space<vmem>>
        %get3A_149 = arith.constant 0 : index
        %get3A_150 = tpu.vector_load %get3A_148[%get3A_149] {strides = array<i32>} : memref<128xi32, #tpu.memory_space<vmem>>, vector<16xi32>,
        tpu.vector_store_idx %arg8[%get3A_150], %broadcast_in_dim3A_50 {add = true} : memref<10240xf32, #tpu.memory_space<vmem>>[vector<16xi32>], vector<16xf32>,
        %get3A_151 = arith.constant 15 : i32
        %get3A_152 = arith.constant 0 : i32
        %get3A_153 = tpu.memref_slice %arg7[%get3A_151, %get3A_152] : memref<16x128xi32, #tpu.memory_space<vmem>> -> memref<1x128xi32, #tpu.memory_space<vmem>>
        %get3A_154 = tpu.memref_squeeze %get3A_153 : memref<1x128xi32, #tpu.memory_space<vmem>> -> memref<128xi32, #tpu.memory_space<vmem>>
        %get3A_155 = arith.constant 16 : index
        %get3A_156 = tpu.vector_load %get3A_154[%get3A_155] {strides = array<i32>} : memref<128xi32, #tpu.memory_space<vmem>>, vector<16xi32>,
        tpu.vector_store_idx %arg8[%get3A_156], %broadcast_in_dim3A_50 {add = true} : memref<10240xf32, #tpu.memory_space<vmem>>[vector<16xi32>], vector<16xf32>,
        %get3A_157 = arith.constant 15 : i32
        %get3A_158 = arith.constant 0 : i32
        %get3A_159 = tpu.memref_slice %arg7[%get3A_157, %get3A_158] : memref<16x128xi32, #tpu.memory_space<vmem>> -> memref<1x128xi32, #tpu.memory_space<vmem>>
        %get3A_160 = tpu.memref_squeeze %get3A_159 : memref<1x128xi32, #tpu.memory_space<vmem>> -> memref<128xi32, #tpu.memory_space<vmem>>
        %get3A_161 = arith.constant 32 : index
        %get3A_162 = tpu.vector_load %get3A_160[%get3A_161] {strides = array<i32>} : memref<128xi32, #tpu.memory_space<vmem>>, vector<16xi32>,
        tpu.vector_store_idx %arg8[%get3A_162], %broadcast_in_dim3A_50 {add = true} : memref<10240xf32, #tpu.memory_space<vmem>>[vector<16xi32>], vector<16xf32>,
        %get3A_163 = arith.constant 15 : i32
        %get3A_164 = arith.constant 0 : i32
        %get3A_165 = tpu.memref_slice %arg7[%get3A_163, %get3A_164] : memref<16x128xi32, #tpu.memory_space<vmem>> -> memref<1x128xi32, #tpu.memory_space<vmem>>
        %get3A_166 = tpu.memref_squeeze %get3A_165 : memref<1x128xi32, #tpu.memory_space<vmem>> -> memref<128xi32, #tpu.memory_space<vmem>>
        %get3A_167 = arith.constant 48 : index
        %get3A_168 = tpu.vector_load %get3A_166[%get3A_167] {strides = array<i32>} : memref<128xi32, #tpu.memory_space<vmem>>, vector<16xi32>,
        tpu.vector_store_idx %arg8[%get3A_168], %broadcast_in_dim3A_50 {add = true} : memref<10240xf32, #tpu.memory_space<vmem>>[vector<16xi32>], vector<16xf32>,
        %get3A_169 = arith.constant 15 : i32
        %get3A_170 = arith.constant 0 : i32
        %get3A_171 = tpu.memref_slice %arg7[%get3A_169, %get3A_170] : memref<16x128xi32, #tpu.memory_space<vmem>> -> memref<1x128xi32, #tpu.memory_space<vmem>>
        %get3A_172 = tpu.memref_squeeze %get3A_171 : memref<1x128xi32, #tpu.memory_space<vmem>> -> memref<128xi32, #tpu.memory_space<vmem>>
        %get3A_173 = arith.constant 64 : index
        %get3A_174 = tpu.vector_load %get3A_172[%get3A_173] {strides = array<i32>} : memref<128xi32, #tpu.memory_space<vmem>>, vector<16xi32>,
        tpu.vector_store_idx %arg8[%get3A_174], %broadcast_in_dim3A_50 {add = true} : memref<10240xf32, #tpu.memory_space<vmem>>[vector<16xi32>], vector<16xf32>,
        %get3A_175 = arith.constant 15 : i32
        %get3A_176 = arith.constant 0 : i32
        %get3A_177 = tpu.memref_slice %arg7[%get3A_175, %get3A_176] : memref<16x128xi32, #tpu.memory_space<vmem>> -> memref<1x128xi32, #tpu.memory_space<vmem>>
        %get3A_178 = tpu.memref_squeeze %get3A_177 : memref<1x128xi32, #tpu.memory_space<vmem>> -> memref<128xi32, #tpu.memory_space<vmem>>
        %get3A_179 = arith.constant 80 : index
        %get3A_180 = tpu.vector_load %get3A_178[%get3A_179] {strides = array<i32>} : memref<128xi32, #tpu.memory_space<vmem>>, vector<16xi32>,
        tpu.vector_store_idx %arg8[%get3A_180], %broadcast_in_dim3A_50 {add = true} : memref<10240xf32, #tpu.memory_space<vmem>>[vector<16xi32>], vector<16xf32>,
        %get3A_181 = arith.constant 15 : i32
        %get3A_182 = arith.constant 0 : i32
        %get3A_183 = tpu.memref_slice %arg7[%get3A_181, %get3A_182] : memref<16x128xi32, #tpu.memory_space<vmem>> -> memref<1x128xi32, #tpu.memory_space<vmem>>
        %get3A_184 = tpu.memref_squeeze %get3A_183 : memref<1x128xi32, #tpu.memory_space<vmem>> -> memref<128xi32, #tpu.memory_space<vmem>>
        %get3A_185 = arith.constant 96 : index
        %get3A_186 = tpu.vector_load %get3A_184[%get3A_185] {strides = array<i32>} : memref<128xi32, #tpu.memory_space<vmem>>, vector<16xi32>,
        tpu.vector_store_idx %arg8[%get3A_186], %broadcast_in_dim3A_50 {add = true} : memref<10240xf32, #tpu.memory_space<vmem>>[vector<16xi32>], vector<16xf32>,
        %get3A_187 = arith.constant 15 : i32
        %get3A_188 = arith.constant 0 : i32
        %get3A_189 = tpu.memref_slice %arg7[%get3A_187, %get3A_188] : memref<16x128xi32, #tpu.memory_space<vmem>> -> memref<1x128xi32, #tpu.memory_space<vmem>>
        %get3A_190 = tpu.memref_squeeze %get3A_189 : memref<1x128xi32, #tpu.memory_space<vmem>> -> memref<128xi32, #tpu.memory_space<vmem>>
        %get3A_191 = arith.constant 112 : index
        %get3A_192 = tpu.vector_load %get3A_190[%get3A_191] {strides = array<i32>} : memref<128xi32, #tpu.memory_space<vmem>>, vector<16xi32>,
        tpu.vector_store_idx %arg8[%get3A_192], %broadcast_in_dim3A_50 {add = true} : memref<10240xf32, #tpu.memory_space<vmem>>[vector<16xi32>], vector<16xf32>,
        %add3A_193 = arith.constant 1 : i32
        %add3A_194 = arith.addi %scan3A_63, %add3A_193 : i32
        %mul3A_195 = arith.constant 16 : i32
        %mul3A_196 = arith.muli %add3A_194, %mul3A_195 : i32
        %run_scoped3A_197 = arith.constant 0 : i32
        "tpu.region"() ({
          %run_scoped3A_217 = tpu.sem_alloc : memref<!tpu.dma_semaphore, #tpu.memory_space<semaphore_mem>>
          %dma_start3A_218 = arith.constant 0 : i32
          %dma_start3A_219 = tpu.memref_slice %arg3[%run_scoped3A_197, %add3A, %mul3A_196, %dma_start3A_218] : memref<2x32x80x128xi32, #tpu.memory_space<hbm>> -> memref<1x1x16x128xi32, #tpu.memory_space<hbm>>
          %dma_start3A_220 = tpu.memref_squeeze %dma_start3A_219 : memref<1x1x16x128xi32, #tpu.memory_space<hbm>> -> memref<16x128xi32, #tpu.memory_space<hbm>>
          %dma_start3A_221 = arith.constant 0 : i32
          %dma_start3A_222 = tpu.memref_slice %arg3[%run_scoped3A_197, %add3A, %mul3A_196, %dma_start3A_221] : memref<2x32x80x128xi32, #tpu.memory_space<hbm>> -> memref<1x1x16x128xi32, #tpu.memory_space<hbm>>
          %dma_start3A_223 = tpu.memref_squeeze %dma_start3A_222 : memref<1x1x16x128xi32, #tpu.memory_space<hbm>> -> memref<16x128xi32, #tpu.memory_space<hbm>>
          tpu.enqueue_dma source(%dma_start3A_223 : memref<16x128xi32, #tpu.memory_space<hbm>>) target(%arg6 : memref<16x128xi32, #tpu.memory_space<vmem>>) target_semaphore(%run_scoped3A_217 : memref<!tpu.dma_semaphore, #tpu.memory_space<semaphore_mem>>)
          %dma_wait3A_224 = arith.constant 0 : i32
          %dma_wait3A_225 = tpu.memref_slice %arg3[%run_scoped3A_197, %add3A, %mul3A_196, %dma_wait3A_224] : memref<2x32x80x128xi32, #tpu.memory_space<hbm>> -> memref<1x1x16x128xi32, #tpu.memory_space<hbm>>
          %dma_wait3A_226 = tpu.memref_squeeze %dma_wait3A_225 : memref<1x1x16x128xi32, #tpu.memory_space<hbm>> -> memref<16x128xi32, #tpu.memory_space<hbm>>
          %dma_wait3A_227 = arith.constant 0 : i32
          %dma_wait3A_228 = tpu.memref_slice %arg3[%run_scoped3A_197, %add3A, %mul3A_196, %dma_wait3A_227] : memref<2x32x80x128xi32, #tpu.memory_space<hbm>> -> memref<1x1x16x128xi32, #tpu.memory_space<hbm>>
          %dma_wait3A_229 = tpu.memref_squeeze %dma_wait3A_228 : memref<1x1x16x128xi32, #tpu.memory_space<hbm>> -> memref<16x128xi32, #tpu.memory_space<hbm>>
          tpu.wait_dma2 semaphore(%run_scoped3A_217 : memref<!tpu.dma_semaphore, #tpu.memory_space<semaphore_mem>>) src(%dma_wait3A_229 : memref<16x128xi32, #tpu.memory_space<hbm>>) dst(%arg6 : memref<16x128xi32, #tpu.memory_space<vmem>>)
          tpu.yield
        }) : () -> ()
        %add3A_198 = arith.constant 1 : i32
        %add3A_199 = arith.addi %scan3A_63, %add3A_198 : i32
        %mul3A_200 = arith.constant 16 : i32
        %mul3A_201 = arith.muli %add3A_199, %mul3A_200 : i32
        %run_scoped3A_202 = arith.constant 1 : i32
        "tpu.region"() ({
          %run_scoped3A_217 = tpu.sem_alloc : memref<!tpu.dma_semaphore, #tpu.memory_space<semaphore_mem>>
          %dma_start3A_218 = arith.constant 0 : i32
          %dma_start3A_219 = tpu.memref_slice %arg3[%run_scoped3A_202, %add3A, %mul3A_201, %dma_start3A_218] : memref<2x32x80x128xi32, #tpu.memory_space<hbm>> -> memref<1x1x16x128xi32, #tpu.memory_space<hbm>>
          %dma_start3A_220 = tpu.memref_squeeze %dma_start3A_219 : memref<1x1x16x128xi32, #tpu.memory_space<hbm>> -> memref<16x128xi32, #tpu.memory_space<hbm>>
          %dma_start3A_221 = arith.constant 0 : i32
          %dma_start3A_222 = tpu.memref_slice %arg3[%run_scoped3A_202, %add3A, %mul3A_201, %dma_start3A_221] : memref<2x32x80x128xi32, #tpu.memory_space<hbm>> -> memref<1x1x16x128xi32, #tpu.memory_space<hbm>>
          %dma_start3A_223 = tpu.memref_squeeze %dma_start3A_222 : memref<1x1x16x128xi32, #tpu.memory_space<hbm>> -> memref<16x128xi32, #tpu.memory_space<hbm>>
          tpu.enqueue_dma source(%dma_start3A_223 : memref<16x128xi32, #tpu.memory_space<hbm>>) target(%arg7 : memref<16x128xi32, #tpu.memory_space<vmem>>) target_semaphore(%run_scoped3A_217 : memref<!tpu.dma_semaphore, #tpu.memory_space<semaphore_mem>>)
          %dma_wait3A_224 = arith.constant 0 : i32
          %dma_wait3A_225 = tpu.memref_slice %arg3[%run_scoped3A_202, %add3A, %mul3A_201, %dma_wait3A_224] : memref<2x32x80x128xi32, #tpu.memory_space<hbm>> -> memref<1x1x16x128xi32, #tpu.memory_space<hbm>>
          %dma_wait3A_226 = tpu.memref_squeeze %dma_wait3A_225 : memref<1x1x16x128xi32, #tpu.memory_space<hbm>> -> memref<16x128xi32, #tpu.memory_space<hbm>>
          %dma_wait3A_227 = arith.constant 0 : i32
          %dma_wait3A_228 = tpu.memref_slice %arg3[%run_scoped3A_202, %add3A, %mul3A_201, %dma_wait3A_227] : memref<2x32x80x128xi32, #tpu.memory_space<hbm>> -> memref<1x1x16x128xi32, #tpu.memory_space<hbm>>
          %dma_wait3A_229 = tpu.memref_squeeze %dma_wait3A_228 : memref<1x1x16x128xi32, #tpu.memory_space<hbm>> -> memref<16x128xi32, #tpu.memory_space<hbm>>
          tpu.wait_dma2 semaphore(%run_scoped3A_217 : memref<!tpu.dma_semaphore, #tpu.memory_space<semaphore_mem>>) src(%dma_wait3A_229 : memref<16x128xi32, #tpu.memory_space<hbm>>) dst(%arg7 : memref<16x128xi32, #tpu.memory_space<vmem>>)
          tpu.yield
        }) : () -> ()
        %dma_start3A_203 = arith.constant 0 : i32
        %dma_start3A_204 = arith.constant 0 : i32
        %dma_start3A_205 = tpu.memref_slice %arg6[%dma_start3A_203, %dma_start3A_204] : memref<16x128xi32, #tpu.memory_space<vmem>> -> memref<1x128xi32, #tpu.memory_space<vmem>>
        %dma_start3A_206 = tpu.memref_squeeze %dma_start3A_205 : memref<1x128xi32, #tpu.memory_space<vmem>> -> memref<128xi32, #tpu.memory_space<vmem>>
        %dma_start3A_207 = arith.constant 0 : i32
        %dma_start3A_208 = arith.constant 0 : i32
        %dma_start3A_209 = tpu.memref_slice %arg2[%dma_start3A_207, %dma_start3A_208] : memref<10000x128xf32, #tpu.memory_space<hbm>> -> memref<10000x128xf32, #tpu.memory_space<hbm>>
        tpu.enqueue_indirect_dma source(%dma_start3A_209 : memref<10000x128xf32, #tpu.memory_space<hbm>>) target(%arg9 : memref<128x128xf32, #tpu.memory_space<vmem>>) offsets(%dma_start3A_206 : memref<128xi32, #tpu.memory_space<vmem>>) semaphore(%arg12 : memref<!tpu.dma_semaphore, #tpu.memory_space<semaphore_mem>>)
        %dma_start3A_210 = arith.constant 1 : i32
        %dma_start3A_211 = arith.constant 0 : i32
        %dma_start3A_212 = tpu.memref_slice %arg6[%dma_start3A_210, %dma_start3A_211] : memref<16x128xi32, #tpu.memory_space<vmem>> -> memref<1x128xi32, #tpu.memory_space<vmem>>
        %dma_start3A_213 = tpu.memref_squeeze %dma_start3A_212 : memref<1x128xi32, #tpu.memory_space<vmem>> -> memref<128xi32, #tpu.memory_space<vmem>>
        %dma_start3A_214 = arith.constant 0 : i32
        %dma_start3A_215 = arith.constant 0 : i32
        %dma_start3A_216 = tpu.memref_slice %arg2[%dma_start3A_214, %dma_start3A_215] : memref<10000x128xf32, #tpu.memory_space<hbm>> -> memref<10000x128xf32, #tpu.memory_space<hbm>>
        tpu.enqueue_indirect_dma source(%dma_start3A_216 : memref<10000x128xf32, #tpu.memory_space<hbm>>) target(%arg10 : memref<128x128xf32, #tpu.memory_space<vmem>>) offsets(%dma_start3A_213 : memref<128xi32, #tpu.memory_space<vmem>>) semaphore(%arg13 : memref<!tpu.dma_semaphore, #tpu.memory_space<semaphore_mem>>)
      } else {
      }
      %add3A_76 = arith.constant 1 : i32
      %add3A_77 = arith.addi %scan3A_63, %add3A_76 : i32
      %ge3A = arith.constant 5 : i32
      %ge3A_78 = arith.cmpi sge, %add3A_77, %ge3A : i32
      %convert_element_type3A_79 = arith.extui %ge3A_78 : i1 to i32
      %cond3A_80 = arith.constant 0 : i32
      %cond3A_81 = arith.cmpi ne, %convert_element_type3A_79, %cond3A_80 : i32
      scf.if %cond3A_81 {
        %dma_wait3A = arith.constant 14 : i32
        %dma_wait3A_83 = arith.constant 0 : i32
        %dma_wait3A_84 = tpu.memref_slice %arg6[%dma_wait3A, %dma_wait3A_83] : memref<16x128xi32, #tpu.memory_space<vmem>> -> memref<1x128xi32, #tpu.memory_space<vmem>>
        %dma_wait3A_85 = tpu.memref_squeeze %dma_wait3A_84 : memref<1x128xi32, #tpu.memory_space<vmem>> -> memref<128xi32, #tpu.memory_space<vmem>>
        %dma_wait3A_86 = arith.constant 0 : i32
        %dma_wait3A_87 = arith.constant 0 : i32
        %dma_wait3A_88 = tpu.memref_slice %arg2[%dma_wait3A_86, %dma_wait3A_87] : memref<10000x128xf32, #tpu.memory_space<hbm>> -> memref<10000x128xf32, #tpu.memory_space<hbm>>
        tpu.wait_indirect_dma semaphore(%arg12 : memref<!tpu.dma_semaphore, #tpu.memory_space<semaphore_mem>>) src(%dma_wait3A_88 : memref<10000x128xf32, #tpu.memory_space<hbm>>) dst(%arg9 : memref<128x128xf32, #tpu.memory_space<vmem>>)
        %run_scoped3A_89 = arith.constant 14 : i32
        "tpu.region"() ({
          %run_scoped3A_193 = tpu.sem_alloc : memref<!tpu.dma_semaphore, #tpu.memory_space<semaphore_mem>>
          %dma_start3A_194 = arith.constant 0 : i32
          %dma_start3A_195 = tpu.memref_slice %arg7[%run_scoped3A_89, %dma_start3A_194] : memref<16x128xi32, #tpu.memory_space<vmem>> -> memref<1x128xi32, #tpu.memory_space<vmem>>
          %dma_start3A_196 = tpu.memref_squeeze %dma_start3A_195 : memref<1x128xi32, #tpu.memory_space<vmem>> -> memref<128xi32, #tpu.memory_space<vmem>>
          %dma_start3A_197 = arith.constant 0 : i32
          %dma_start3A_198 = arith.constant 0 : i32
          %dma_start3A_199 = tpu.memref_slice %arg11[%dma_start3A_197, %dma_start3A_198] : memref<10240x128xf32, #tpu.memory_space<vmem_shared>> -> memref<10240x128xf32, #tpu.memory_space<vmem_shared>>
          tpu.enqueue_indirect_dma source(%arg9 : memref<128x128xf32, #tpu.memory_space<vmem>>) target(%dma_start3A_199 : memref<10240x128xf32, #tpu.memory_space<vmem_shared>>) offsets(%dma_start3A_196 : memref<128xi32, #tpu.memory_space<vmem>>) semaphore(%run_scoped3A_193 : memref<!tpu.dma_semaphore, #tpu.memory_space<semaphore_mem>>) {add = true}
          %dma_wait3A_200 = arith.constant 0 : i32
          %dma_wait3A_201 = tpu.memref_slice %arg7[%run_scoped3A_89, %dma_wait3A_200] : memref<16x128xi32, #tpu.memory_space<vmem>> -> memref<1x128xi32, #tpu.memory_space<vmem>>
          %dma_wait3A_202 = tpu.memref_squeeze %dma_wait3A_201 : memref<1x128xi32, #tpu.memory_space<vmem>> -> memref<128xi32, #tpu.memory_space<vmem>>
          %dma_wait3A_203 = arith.constant 0 : i32
          %dma_wait3A_204 = arith.constant 0 : i32
          %dma_wait3A_205 = tpu.memref_slice %arg11[%dma_wait3A_203, %dma_wait3A_204] : memref<10240x128xf32, #tpu.memory_space<vmem_shared>> -> memref<10240x128xf32, #tpu.memory_space<vmem_shared>>
          tpu.wait_indirect_dma semaphore(%run_scoped3A_193 : memref<!tpu.dma_semaphore, #tpu.memory_space<semaphore_mem>>) src(%arg9 : memref<128x128xf32, #tpu.memory_space<vmem>>) dst(%dma_wait3A_205 : memref<10240x128xf32, #tpu.memory_space<vmem_shared>>)
          tpu.yield
        }) : () -> ()
        %get3A = arith.constant 14 : i32
        %get3A_90 = arith.constant 0 : i32
        %get3A_91 = tpu.memref_slice %arg7[%get3A, %get3A_90] : memref<16x128xi32, #tpu.memory_space<vmem>> -> memref<1x128xi32, #tpu.memory_space<vmem>>
        %get3A_92 = tpu.memref_squeeze %get3A_91 : memref<1x128xi32, #tpu.memory_space<vmem>> -> memref<128xi32, #tpu.memory_space<vmem>>
        %get3A_93 = arith.constant 0 : index
        %get3A_94 = tpu.vector_load %get3A_92[%get3A_93] {strides = array<i32>} : memref<128xi32, #tpu.memory_space<vmem>>, vector<16xi32>,
        tpu.vector_store_idx %arg8[%get3A_94], %broadcast_in_dim3A_50 {add = true} : memref<10240xf32, #tpu.memory_space<vmem>>[vector<16xi32>], vector<16xf32>,
        %get3A_95 = arith.constant 14 : i32
        %get3A_96 = arith.constant 0 : i32
        %get3A_97 = tpu.memref_slice %arg7[%get3A_95, %get3A_96] : memref<16x128xi32, #tpu.memory_space<vmem>> -> memref<1x128xi32, #tpu.memory_space<vmem>>
        %get3A_98 = tpu.memref_squeeze %get3A_97 : memref<1x128xi32, #tpu.memory_space<vmem>> -> memref<128xi32, #tpu.memory_space<vmem>>
        %get3A_99 = arith.constant 16 : index
        %get3A_100 = tpu.vector_load %get3A_98[%get3A_99] {strides = array<i32>} : memref<128xi32, #tpu.memory_space<vmem>>, vector<16xi32>,
        tpu.vector_store_idx %arg8[%get3A_100], %broadcast_in_dim3A_50 {add = true} : memref<10240xf32, #tpu.memory_space<vmem>>[vector<16xi32>], vector<16xf32>,
        %get3A_101 = arith.constant 14 : i32
        %get3A_102 = arith.constant 0 : i32
        %get3A_103 = tpu.memref_slice %arg7[%get3A_101, %get3A_102] : memref<16x128xi32, #tpu.memory_space<vmem>> -> memref<1x128xi32, #tpu.memory_space<vmem>>
        %get3A_104 = tpu.memref_squeeze %get3A_103 : memref<1x128xi32, #tpu.memory_space<vmem>> -> memref<128xi32, #tpu.memory_space<vmem>>
        %get3A_105 = arith.constant 32 : index
        %get3A_106 = tpu.vector_load %get3A_104[%get3A_105] {strides = array<i32>} : memref<128xi32, #tpu.memory_space<vmem>>, vector<16xi32>,
        tpu.vector_store_idx %arg8[%get3A_106], %broadcast_in_dim3A_50 {add = true} : memref<10240xf32, #tpu.memory_space<vmem>>[vector<16xi32>], vector<16xf32>,
        %get3A_107 = arith.constant 14 : i32
        %get3A_108 = arith.constant 0 : i32
        %get3A_109 = tpu.memref_slice %arg7[%get3A_107, %get3A_108] : memref<16x128xi32, #tpu.memory_space<vmem>> -> memref<1x128xi32, #tpu.memory_space<vmem>>
        %get3A_110 = tpu.memref_squeeze %get3A_109 : memref<1x128xi32, #tpu.memory_space<vmem>> -> memref<128xi32, #tpu.memory_space<vmem>>
        %get3A_111 = arith.constant 48 : index
        %get3A_112 = tpu.vector_load %get3A_110[%get3A_111] {strides = array<i32>} : memref<128xi32, #tpu.memory_space<vmem>>, vector<16xi32>,
        tpu.vector_store_idx %arg8[%get3A_112], %broadcast_in_dim3A_50 {add = true} : memref<10240xf32, #tpu.memory_space<vmem>>[vector<16xi32>], vector<16xf32>,
        %get3A_113 = arith.constant 14 : i32
        %get3A_114 = arith.constant 0 : i32
        %get3A_115 = tpu.memref_slice %arg7[%get3A_113, %get3A_114] : memref<16x128xi32, #tpu.memory_space<vmem>> -> memref<1x128xi32, #tpu.memory_space<vmem>>
        %get3A_116 = tpu.memref_squeeze %get3A_115 : memref<1x128xi32, #tpu.memory_space<vmem>> -> memref<128xi32, #tpu.memory_space<vmem>>
        %get3A_117 = arith.constant 64 : index
        %get3A_118 = tpu.vector_load %get3A_116[%get3A_117] {strides = array<i32>} : memref<128xi32, #tpu.memory_space<vmem>>, vector<16xi32>,
        tpu.vector_store_idx %arg8[%get3A_118], %broadcast_in_dim3A_50 {add = true} : memref<10240xf32, #tpu.memory_space<vmem>>[vector<16xi32>], vector<16xf32>,
        %get3A_119 = arith.constant 14 : i32
        %get3A_120 = arith.constant 0 : i32
        %get3A_121 = tpu.memref_slice %arg7[%get3A_119, %get3A_120] : memref<16x128xi32, #tpu.memory_space<vmem>> -> memref<1x128xi32, #tpu.memory_space<vmem>>
        %get3A_122 = tpu.memref_squeeze %get3A_121 : memref<1x128xi32, #tpu.memory_space<vmem>> -> memref<128xi32, #tpu.memory_space<vmem>>
        %get3A_123 = arith.constant 80 : index
        %get3A_124 = tpu.vector_load %get3A_122[%get3A_123] {strides = array<i32>} : memref<128xi32, #tpu.memory_space<vmem>>, vector<16xi32>,
        tpu.vector_store_idx %arg8[%get3A_124], %broadcast_in_dim3A_50 {add = true} : memref<10240xf32, #tpu.memory_space<vmem>>[vector<16xi32>], vector<16xf32>,
        %get3A_125 = arith.constant 14 : i32
        %get3A_126 = arith.constant 0 : i32
        %get3A_127 = tpu.memref_slice %arg7[%get3A_125, %get3A_126] : memref<16x128xi32, #tpu.memory_space<vmem>> -> memref<1x128xi32, #tpu.memory_space<vmem>>
        %get3A_128 = tpu.memref_squeeze %get3A_127 : memref<1x128xi32, #tpu.memory_space<vmem>> -> memref<128xi32, #tpu.memory_space<vmem>>
        %get3A_129 = arith.constant 96 : index
        %get3A_130 = tpu.vector_load %get3A_128[%get3A_129] {strides = array<i32>} : memref<128xi32, #tpu.memory_space<vmem>>, vector<16xi32>,
        tpu.vector_store_idx %arg8[%get3A_130], %broadcast_in_dim3A_50 {add = true} : memref<10240xf32, #tpu.memory_space<vmem>>[vector<16xi32>], vector<16xf32>,
        %get3A_131 = arith.constant 14 : i32
        %get3A_132 = arith.constant 0 : i32
        %get3A_133 = tpu.memref_slice %arg7[%get3A_131, %get3A_132] : memref<16x128xi32, #tpu.memory_space<vmem>> -> memref<1x128xi32, #tpu.memory_space<vmem>>
        %get3A_134 = tpu.memref_squeeze %get3A_133 : memref<1x128xi32, #tpu.memory_space<vmem>> -> memref<128xi32, #tpu.memory_space<vmem>>
        %get3A_135 = arith.constant 112 : index
        %get3A_136 = tpu.vector_load %get3A_134[%get3A_135] {strides = array<i32>} : memref<128xi32, #tpu.memory_space<vmem>>, vector<16xi32>,
        tpu.vector_store_idx %arg8[%get3A_136], %broadcast_in_dim3A_50 {add = true} : memref<10240xf32, #tpu.memory_space<vmem>>[vector<16xi32>], vector<16xf32>,
        %dma_wait3A_137 = arith.constant 15 : i32
        %dma_wait3A_138 = arith.constant 0 : i32
        %dma_wait3A_139 = tpu.memref_slice %arg6[%dma_wait3A_137, %dma_wait3A_138] : memref<16x128xi32, #tpu.memory_space<vmem>> -> memref<1x128xi32, #tpu.memory_space<vmem>>
        %dma_wait3A_140 = tpu.memref_squeeze %dma_wait3A_139 : memref<1x128xi32, #tpu.memory_space<vmem>> -> memref<128xi32, #tpu.memory_space<vmem>>
        %dma_wait3A_141 = arith.constant 0 : i32
        %dma_wait3A_142 = arith.constant 0 : i32
        %dma_wait3A_143 = tpu.memref_slice %arg2[%dma_wait3A_141, %dma_wait3A_142] : memref<10000x128xf32, #tpu.memory_space<hbm>> -> memref<10000x128xf32, #tpu.memory_space<hbm>>
        tpu.wait_indirect_dma semaphore(%arg13 : memref<!tpu.dma_semaphore, #tpu.memory_space<semaphore_mem>>) src(%dma_wait3A_143 : memref<10000x128xf32, #tpu.memory_space<hbm>>) dst(%arg10 : memref<128x128xf32, #tpu.memory_space<vmem>>)
        %run_scoped3A_144 = arith.constant 15 : i32
        "tpu.region"() ({
          %run_scoped3A_193 = tpu.sem_alloc : memref<!tpu.dma_semaphore, #tpu.memory_space<semaphore_mem>>
          %dma_start3A_194 = arith.constant 0 : i32
          %dma_start3A_195 = tpu.memref_slice %arg7[%run_scoped3A_144, %dma_start3A_194] : memref<16x128xi32, #tpu.memory_space<vmem>> -> memref<1x128xi32, #tpu.memory_space<vmem>>
          %dma_start3A_196 = tpu.memref_squeeze %dma_start3A_195 : memref<1x128xi32, #tpu.memory_space<vmem>> -> memref<128xi32, #tpu.memory_space<vmem>>
          %dma_start3A_197 = arith.constant 0 : i32
          %dma_start3A_198 = arith.constant 0 : i32
          %dma_start3A_199 = tpu.memref_slice %arg11[%dma_start3A_197, %dma_start3A_198] : memref<10240x128xf32, #tpu.memory_space<vmem_shared>> -> memref<10240x128xf32, #tpu.memory_space<vmem_shared>>
          tpu.enqueue_indirect_dma source(%arg10 : memref<128x128xf32, #tpu.memory_space<vmem>>) target(%dma_start3A_199 : memref<10240x128xf32, #tpu.memory_space<vmem_shared>>) offsets(%dma_start3A_196 : memref<128xi32, #tpu.memory_space<vmem>>) semaphore(%run_scoped3A_193 : memref<!tpu.dma_semaphore, #tpu.memory_space<semaphore_mem>>) {add = true}
          %dma_wait3A_200 = arith.constant 0 : i32
          %dma_wait3A_201 = tpu.memref_slice %arg7[%run_scoped3A_144, %dma_wait3A_200] : memref<16x128xi32, #tpu.memory_space<vmem>> -> memref<1x128xi32, #tpu.memory_space<vmem>>
          %dma_wait3A_202 = tpu.memref_squeeze %dma_wait3A_201 : memref<1x128xi32, #tpu.memory_space<vmem>> -> memref<128xi32, #tpu.memory_space<vmem>>
          %dma_wait3A_203 = arith.constant 0 : i32
          %dma_wait3A_204 = arith.constant 0 : i32
          %dma_wait3A_205 = tpu.memref_slice %arg11[%dma_wait3A_203, %dma_wait3A_204] : memref<10240x128xf32, #tpu.memory_space<vmem_shared>> -> memref<10240x128xf32, #tpu.memory_space<vmem_shared>>
          tpu.wait_indirect_dma semaphore(%run_scoped3A_193 : memref<!tpu.dma_semaphore, #tpu.memory_space<semaphore_mem>>) src(%arg10 : memref<128x128xf32, #tpu.memory_space<vmem>>) dst(%dma_wait3A_205 : memref<10240x128xf32, #tpu.memory_space<vmem_shared>>)
          tpu.yield
        }) : () -> ()
        %get3A_145 = arith.constant 15 : i32
        %get3A_146 = arith.constant 0 : i32
        %get3A_147 = tpu.memref_slice %arg7[%get3A_145, %get3A_146] : memref<16x128xi32, #tpu.memory_space<vmem>> -> memref<1x128xi32, #tpu.memory_space<vmem>>
        %get3A_148 = tpu.memref_squeeze %get3A_147 : memref<1x128xi32, #tpu.memory_space<vmem>> -> memref<128xi32, #tpu.memory_space<vmem>>
        %get3A_149 = arith.constant 0 : index
        %get3A_150 = tpu.vector_load %get3A_148[%get3A_149] {strides = array<i32>} : memref<128xi32, #tpu.memory_space<vmem>>, vector<16xi32>,
        tpu.vector_store_idx %arg8[%get3A_150], %broadcast_in_dim3A_50 {add = true} : memref<10240xf32, #tpu.memory_space<vmem>>[vector<16xi32>], vector<16xf32>,
        %get3A_151 = arith.constant 15 : i32
        %get3A_152 = arith.constant 0 : i32
        %get3A_153 = tpu.memref_slice %arg7[%get3A_151, %get3A_152] : memref<16x128xi32, #tpu.memory_space<vmem>> -> memref<1x128xi32, #tpu.memory_space<vmem>>
        %get3A_154 = tpu.memref_squeeze %get3A_153 : memref<1x128xi32, #tpu.memory_space<vmem>> -> memref<128xi32, #tpu.memory_space<vmem>>
        %get3A_155 = arith.constant 16 : index
        %get3A_156 = tpu.vector_load %get3A_154[%get3A_155] {strides = array<i32>} : memref<128xi32, #tpu.memory_space<vmem>>, vector<16xi32>,
        tpu.vector_store_idx %arg8[%get3A_156], %broadcast_in_dim3A_50 {add = true} : memref<10240xf32, #tpu.memory_space<vmem>>[vector<16xi32>], vector<16xf32>,
        %get3A_157 = arith.constant 15 : i32
        %get3A_158 = arith.constant 0 : i32
        %get3A_159 = tpu.memref_slice %arg7[%get3A_157, %get3A_158] : memref<16x128xi32, #tpu.memory_space<vmem>> -> memref<1x128xi32, #tpu.memory_space<vmem>>
        %get3A_160 = tpu.memref_squeeze %get3A_159 : memref<1x128xi32, #tpu.memory_space<vmem>> -> memref<128xi32, #tpu.memory_space<vmem>>
        %get3A_161 = arith.constant 32 : index
        %get3A_162 = tpu.vector_load %get3A_160[%get3A_161] {strides = array<i32>} : memref<128xi32, #tpu.memory_space<vmem>>, vector<16xi32>,
        tpu.vector_store_idx %arg8[%get3A_162], %broadcast_in_dim3A_50 {add = true} : memref<10240xf32, #tpu.memory_space<vmem>>[vector<16xi32>], vector<16xf32>,
        %get3A_163 = arith.constant 15 : i32
        %get3A_164 = arith.constant 0 : i32
        %get3A_165 = tpu.memref_slice %arg7[%get3A_163, %get3A_164] : memref<16x128xi32, #tpu.memory_space<vmem>> -> memref<1x128xi32, #tpu.memory_space<vmem>>
        %get3A_166 = tpu.memref_squeeze %get3A_165 : memref<1x128xi32, #tpu.memory_space<vmem>> -> memref<128xi32, #tpu.memory_space<vmem>>
        %get3A_167 = arith.constant 48 : index
        %get3A_168 = tpu.vector_load %get3A_166[%get3A_167] {strides = array<i32>} : memref<128xi32, #tpu.memory_space<vmem>>, vector<16xi32>,
        tpu.vector_store_idx %arg8[%get3A_168], %broadcast_in_dim3A_50 {add = true} : memref<10240xf32, #tpu.memory_space<vmem>>[vector<16xi32>], vector<16xf32>,
        %get3A_169 = arith.constant 15 : i32
        %get3A_170 = arith.constant 0 : i32
        %get3A_171 = tpu.memref_slice %arg7[%get3A_169, %get3A_170] : memref<16x128xi32, #tpu.memory_space<vmem>> -> memref<1x128xi32, #tpu.memory_space<vmem>>
        %get3A_172 = tpu.memref_squeeze %get3A_171 : memref<1x128xi32, #tpu.memory_space<vmem>> -> memref<128xi32, #tpu.memory_space<vmem>>
        %get3A_173 = arith.constant 64 : index
        %get3A_174 = tpu.vector_load %get3A_172[%get3A_173] {strides = array<i32>} : memref<128xi32, #tpu.memory_space<vmem>>, vector<16xi32>,
        tpu.vector_store_idx %arg8[%get3A_174], %broadcast_in_dim3A_50 {add = true} : memref<10240xf32, #tpu.memory_space<vmem>>[vector<16xi32>], vector<16xf32>,
        %get3A_175 = arith.constant 15 : i32
        %get3A_176 = arith.constant 0 : i32
        %get3A_177 = tpu.memref_slice %arg7[%get3A_175, %get3A_176] : memref<16x128xi32, #tpu.memory_space<vmem>> -> memref<1x128xi32, #tpu.memory_space<vmem>>
        %get3A_178 = tpu.memref_squeeze %get3A_177 : memref<1x128xi32, #tpu.memory_space<vmem>> -> memref<128xi32, #tpu.memory_space<vmem>>
        %get3A_179 = arith.constant 80 : index
        %get3A_180 = tpu.vector_load %get3A_178[%get3A_179] {strides = array<i32>} : memref<128xi32, #tpu.memory_space<vmem>>, vector<16xi32>,
        tpu.vector_store_idx %arg8[%get3A_180], %broadcast_in_dim3A_50 {add = true} : memref<10240xf32, #tpu.memory_space<vmem>>[vector<16xi32>], vector<16xf32>,
        %get3A_181 = arith.constant 15 : i32
        %get3A_182 = arith.constant 0 : i32
        %get3A_183 = tpu.memref_slice %arg7[%get3A_181, %get3A_182] : memref<16x128xi32, #tpu.memory_space<vmem>> -> memref<1x128xi32, #tpu.memory_space<vmem>>
        %get3A_184 = tpu.memref_squeeze %get3A_183 : memref<1x128xi32, #tpu.memory_space<vmem>> -> memref<128xi32, #tpu.memory_space<vmem>>
        %get3A_185 = arith.constant 96 : index
        %get3A_186 = tpu.vector_load %get3A_184[%get3A_185] {strides = array<i32>} : memref<128xi32, #tpu.memory_space<vmem>>, vector<16xi32>,
        tpu.vector_store_idx %arg8[%get3A_186], %broadcast_in_dim3A_50 {add = true} : memref<10240xf32, #tpu.memory_space<vmem>>[vector<16xi32>], vector<16xf32>,
        %get3A_187 = arith.constant 15 : i32
        %get3A_188 = arith.constant 0 : i32
        %get3A_189 = tpu.memref_slice %arg7[%get3A_187, %get3A_188] : memref<16x128xi32, #tpu.memory_space<vmem>> -> memref<1x128xi32, #tpu.memory_space<vmem>>
        %get3A_190 = tpu.memref_squeeze %get3A_189 : memref<1x128xi32, #tpu.memory_space<vmem>> -> memref<128xi32, #tpu.memory_space<vmem>>
        %get3A_191 = arith.constant 112 : index
        %get3A_192 = tpu.vector_load %get3A_190[%get3A_191] {strides = array<i32>} : memref<128xi32, #tpu.memory_space<vmem>>, vector<16xi32>,
        tpu.vector_store_idx %arg8[%get3A_192], %broadcast_in_dim3A_50 {add = true} : memref<10240xf32, #tpu.memory_space<vmem>>[vector<16xi32>], vector<16xf32>,
      } else {
      }
      %scan3A_82 = arith.constant 0 : i32
      scf.yield %scan3A_82 : i32
    }
    %scan3A_57 = arith.constant 5 : i32
    "tpu.trace_stop"() : () -> ()
    "tpu.trace_start"() <{level = 10 : i32, message = "phase_barrier2"}> : () -> ()
    %barrier3A_58 = arith.constant 0 : index
    tpu.barrier barrier_id(%barrier3A_58)
    "tpu.trace_stop"() : () -> ()
    "tpu.trace_start"() <{level = 10 : i32, message = "phase_export"}> : () -> ()
    %mul3A_59 = arith.constant 640 : i32
    %mul3A_60 = arith.muli %arg1, %mul3A_59 : i32
    %mul3A_61 = arith.constant 640 : i32
    %mul3A_62 = arith.muli %arg1, %mul3A_61 : i32
    "tpu.region"() ({
      %run_scoped3A_63 = tpu.sem_alloc : memref<!tpu.dma_semaphore, #tpu.memory_space<semaphore_mem>>
      %dma_start3A_64 = arith.constant 0 : i32
      %dma_start3A_65 = tpu.memref_slice %arg4[%arg0, %mul3A_62, %dma_start3A_64] : memref<2x10240x128xf32, #tpu.memory_space<hbm>> -> memref<1x640x128xf32, #tpu.memory_space<hbm>>
      %dma_start3A_66 = tpu.memref_squeeze %dma_start3A_65 : memref<1x640x128xf32, #tpu.memory_space<hbm>> -> memref<640x128xf32, #tpu.memory_space<hbm>>
      %dma_start3A_67 = arith.constant 0 : i32
      %dma_start3A_68 = tpu.memref_slice %arg11[%mul3A_60, %dma_start3A_67] : memref<10240x128xf32, #tpu.memory_space<vmem_shared>> -> memref<640x128xf32, #tpu.memory_space<vmem_shared>>
      tpu.enqueue_dma source(%dma_start3A_68 : memref<640x128xf32, #tpu.memory_space<vmem_shared>>) target(%dma_start3A_66 : memref<640x128xf32, #tpu.memory_space<hbm>>) target_semaphore(%run_scoped3A_63 : memref<!tpu.dma_semaphore, #tpu.memory_space<semaphore_mem>>)
      %dma_wait3A = arith.constant 0 : i32
      %dma_wait3A_69 = tpu.memref_slice %arg4[%arg0, %mul3A_62, %dma_wait3A] : memref<2x10240x128xf32, #tpu.memory_space<hbm>> -> memref<1x640x128xf32, #tpu.memory_space<hbm>>
      %dma_wait3A_70 = tpu.memref_squeeze %dma_wait3A_69 : memref<1x640x128xf32, #tpu.memory_space<hbm>> -> memref<640x128xf32, #tpu.memory_space<hbm>>
      %dma_wait3A_71 = arith.constant 0 : i32
      %dma_wait3A_72 = tpu.memref_slice %arg11[%mul3A_60, %dma_wait3A_71] : memref<10240x128xf32, #tpu.memory_space<vmem_shared>> -> memref<640x128xf32, #tpu.memory_space<vmem_shared>>
      tpu.wait_dma2 semaphore(%run_scoped3A_63 : memref<!tpu.dma_semaphore, #tpu.memory_space<semaphore_mem>>) src(%dma_wait3A_72 : memref<640x128xf32, #tpu.memory_space<vmem_shared>>) dst(%dma_wait3A_70 : memref<640x128xf32, #tpu.memory_space<hbm>>)
      tpu.yield
    }) : () -> ()
    "tpu.region"() ({
      %run_scoped3A_63 = tpu.sem_alloc : memref<!tpu.dma_semaphore, #tpu.memory_space<semaphore_mem>>
      %dma_start3A_64 = arith.constant 0 : i32
      %dma_start3A_65 = tpu.memref_slice %arg5[%add3A, %dma_start3A_64] : memref<32x10240xf32, #tpu.memory_space<hbm>> -> memref<1x10240xf32, #tpu.memory_space<hbm>>
      %dma_start3A_66 = tpu.memref_squeeze %dma_start3A_65 : memref<1x10240xf32, #tpu.memory_space<hbm>> -> memref<10240xf32, #tpu.memory_space<hbm>>
      %dma_start3A_67 = arith.constant 0 : i32
      %dma_start3A_68 = tpu.memref_slice %arg5[%add3A, %dma_start3A_67] : memref<32x10240xf32, #tpu.memory_space<hbm>> -> memref<1x10240xf32, #tpu.memory_space<hbm>>
      %dma_start3A_69 = tpu.memref_squeeze %dma_start3A_68 : memref<1x10240xf32, #tpu.memory_space<hbm>> -> memref<10240xf32, #tpu.memory_space<hbm>>
      tpu.enqueue_dma source(%arg8 : memref<10240xf32, #tpu.memory_space<vmem>>) target(%dma_start3A_69 : memref<10240xf32, #tpu.memory_space<hbm>>) target_semaphore(%run_scoped3A_63 : memref<!tpu.dma_semaphore, #tpu.memory_space<semaphore_mem>>)
      %dma_wait3A = arith.constant 0 : i32
      %dma_wait3A_70 = tpu.memref_slice %arg5[%add3A, %dma_wait3A] : memref<32x10240xf32, #tpu.memory_space<hbm>> -> memref<1x10240xf32, #tpu.memory_space<hbm>>
      %dma_wait3A_71 = tpu.memref_squeeze %dma_wait3A_70 : memref<1x10240xf32, #tpu.memory_space<hbm>> -> memref<10240xf32, #tpu.memory_space<hbm>>
      %dma_wait3A_72 = arith.constant 0 : i32
      %dma_wait3A_73 = tpu.memref_slice %arg5[%add3A, %dma_wait3A_72] : memref<32x10240xf32, #tpu.memory_space<hbm>> -> memref<1x10240xf32, #tpu.memory_space<hbm>>
      %dma_wait3A_74 = tpu.memref_squeeze %dma_wait3A_73 : memref<1x10240xf32, #tpu.memory_space<hbm>> -> memref<10240xf32, #tpu.memory_space<hbm>>
      tpu.wait_dma2 semaphore(%run_scoped3A_63 : memref<!tpu.dma_semaphore, #tpu.memory_space<semaphore_mem>>) src(%arg8 : memref<10240xf32, #tpu.memory_space<vmem>>) dst(%dma_wait3A_74 : memref<10240xf32, #tpu.memory_space<hbm>>)
      tpu.yield
    }) : () -> ()
    "tpu.trace_stop"() : () -> ()
    return
  }
}

module attributes {stable_mosaic.version = 14 : i64} {
  func.func @_tc_finish_kernel(%arg0: i32, %arg1: memref<2x1024x128xf32, #tpu.memory_space<vmem>>, %arg2: memref<32x1024xf32, #tpu.memory_space<vmem>>, %arg3: memref<1024x128xf32, #tpu.memory_space<vmem>>, %arg4: memref<128x128xf32, #tpu.memory_space<vmem>>, %arg5: memref<1x128xf32, #tpu.memory_space<vmem>>, %arg6: memref<1024x128xf32, #tpu.memory_space<vmem>>) attributes {dimension_semantics = [#tpu.dimension_semantics<arbitrary>], iteration_bounds = array<i64: 10>, scalar_prefetch = 0 : i64, scratch_operands = 0 : i64, tpu.core_type = #tpu.core_type<tc>, window_params = [{transform_indices = @transform_0, window_bounds = array<i64: 2, 1024, 128>}, {transform_indices = @transform_1, window_bounds = array<i64: 32, 1024>}, {transform_indices = @transform_2, window_bounds = array<i64: 1024, 128>}, {pipeline_mode = #tpu.pipeline_mode<synchronous>, transform_indices = @transform_3, window_bounds = array<i64: 128, 128>}, {pipeline_mode = #tpu.pipeline_mode<synchronous>, transform_indices = @transform_4, window_bounds = array<i64: 1, 128>}, {transform_indices = @transform_5, window_bounds = array<i64: 1024, 128>}]} {
    %get3A = arith.constant 0 : index
    %get3A_0 = arith.constant 0 : index
    %get3A_1 = arith.constant 0 : index
    %get3A_2 = vector.load %arg1[%get3A, %get3A_0, %get3A_1] : memref<2x1024x128xf32, #tpu.memory_space<vmem>>, vector<1x1024x128xf32>
    %get3A_3 = vector.shape_cast %get3A_2 : vector<1x1024x128xf32> to vector<1024x128xf32>
    %get3A_4 = arith.constant 1 : index
    %get3A_5 = arith.constant 0 : index
    %get3A_6 = arith.constant 0 : index
    %get3A_7 = vector.load %arg1[%get3A_4, %get3A_5, %get3A_6] : memref<2x1024x128xf32, #tpu.memory_space<vmem>>, vector<1x1024x128xf32>
    %get3A_8 = vector.shape_cast %get3A_7 : vector<1x1024x128xf32> to vector<1024x128xf32>
    %add3A = arith.addf %get3A_3, %get3A_8 : vector<1024x128xf32>
    %get3A_9 = arith.constant 0 : index
    %get3A_10 = arith.constant 0 : index
    %get3A_11 = vector.load %arg2[%get3A_9, %get3A_10] : memref<32x1024xf32, #tpu.memory_space<vmem>>, vector<32x1024xf32>
    %reduce_sum3A = arith.constant dense<0.000000e+00> : vector<1024xf32>
    %reduce_sum3A_12 = vector.multi_reduction <add>, %get3A_11, %reduce_sum3A [0] : vector<32x1024xf32> to vector<1024xf32>
    %get3A_13 = arith.constant 0 : index
    %get3A_14 = arith.constant 0 : index
    %get3A_15 = vector.load %arg3[%get3A_13, %get3A_14] : memref<1024x128xf32, #tpu.memory_space<vmem>>, vector<1024x128xf32>
    %add3A_16 = arith.addf %add3A, %get3A_15 : vector<1024x128xf32>
    %broadcast_in_dim3A = vector.shape_cast %reduce_sum3A_12 : vector<1024xf32> to vector<1024x1xf32>
    %add3A_17 = arith.constant 1.000000e+00 : f32
    %add3A_18 = vector.broadcast %add3A_17 : f32 to vector<1024x1xf32>
    %add3A_19 = arith.addf %broadcast_in_dim3A, %add3A_18 : vector<1024x1xf32>
    %div3A = vector.broadcast %add3A_19 : vector<1024x1xf32> to vector<1024x128xf32>
    %div3A_20 = arith.divf %add3A_16, %div3A : vector<1024x128xf32>
    %get3A_21 = arith.constant 0 : index
    %get3A_22 = arith.constant 0 : index
    %get3A_23 = vector.load %arg4[%get3A_21, %get3A_22] : memref<128x128xf32, #tpu.memory_space<vmem>>, vector<128x128xf32>
    %dot_general3A = arith.constant dense<0.000000e+00> : vector<1024x128xf32>
    %dot_general3A_24 = tpu.matmul %div3A_20, %get3A_23, %dot_general3A {dimension_numbers = #tpu.dot_dimension_numbers<[1], [0], [0], [1], [0, 0, 1, 1], [], []>, transpose_lhs_hint = false} : vector<1024x128xf32>, vector<128x128xf32>, vector<1024x128xf32> -> vector<1024x128xf32>
    %get3A_25 = arith.constant 0 : index
    %get3A_26 = arith.constant 0 : index
    %get3A_27 = vector.load %arg5[%get3A_25, %get3A_26] : memref<1x128xf32, #tpu.memory_space<vmem>>, vector<1x128xf32>
    %add3A_28 = vector.broadcast %get3A_27 : vector<1x128xf32> to vector<1024x128xf32>
    %add3A_29 = arith.addf %dot_general3A_24, %add3A_28 : vector<1024x128xf32>
    %max3A = arith.constant 0.000000e+00 : f32
    %max3A_30 = vector.broadcast %max3A : f32 to vector<1024x128xf32>
    %max3A_31 = arith.maximumf %add3A_29, %max3A_30 : vector<1024x128xf32>
    %swap3A = arith.constant 0 : index
    %swap3A_32 = arith.constant 0 : index
    %swap3A_33 = vector.load %arg6[%swap3A, %swap3A_32] : memref<1024x128xf32, #tpu.memory_space<vmem>>, vector<1024x128xf32>
    tpu.vector_store %arg6[%swap3A, %swap3A_32], %max3A_31 {strides = array<i32>} : memref<1024x128xf32, #tpu.memory_space<vmem>>, vector<1024x128xf32>,
    return
  }
  func.func @transform_0(%arg0: i32) -> (i32, i32, i32) {
    %c0_i32 = arith.constant 0 : i32
    %c0_i32_0 = arith.constant 0 : i32
    %c0_i32_1 = arith.constant 0 : i32
    return %c0_i32, %arg0, %c0_i32_0 : i32, i32, i32
  }
  func.func @transform_1(%arg0: i32) -> (i32, i32) {
    %c0_i32 = arith.constant 0 : i32
    %c0_i32_0 = arith.constant 0 : i32
    return %c0_i32, %arg0 : i32, i32
  }
  func.func @transform_2(%arg0: i32) -> (i32, i32) {
    %c0_i32 = arith.constant 0 : i32
    %c0_i32_0 = arith.constant 0 : i32
    return %arg0, %c0_i32 : i32, i32
  }
  func.func @transform_3(%arg0: i32) -> (i32, i32) {
    %c0_i32 = arith.constant 0 : i32
    %c0_i32_0 = arith.constant 0 : i32
    %c0_i32_1 = arith.constant 0 : i32
    return %c0_i32, %c0_i32_0 : i32, i32
  }
  func.func @transform_4(%arg0: i32) -> (i32, i32) {
    %c0_i32 = arith.constant 0 : i32
    %c0_i32_0 = arith.constant 0 : i32
    %c0_i32_1 = arith.constant 0 : i32
    return %c0_i32, %c0_i32_0 : i32, i32
  }
  func.func @transform_5(%arg0: i32) -> (i32, i32) {
    %c0_i32 = arith.constant 0 : i32
    %c0_i32_0 = arith.constant 0 : i32
    return %arg0, %c0_i32 : i32, i32
  }
}

</mosaic_0001>

<sc_bundles>
// kernel: kernel.4.cloned.1.call-start
scs
__scs_entry_jumppad:
0x0: {  	(pc) =	sbr.rel $0x88, $3  }
0x1: {  	(tag) =	ssettag $0x0;
	lr =	simm.s32 $0x1  }
0x2: {  	[smem:$0x3F9D] =	sst lr;
	_ =	strace $0xD0000000  }
0x3: {  	_ = 	snop  }
0x4: {  	_ = 	snop  }
0x5: {  	_ = 	snop  }
0x6: {  	_ = 	snop  }
0x7: {  	_ = 	snop  }
__scs_overlays_trampoline_lowered:
0x8: {  	[smem:$0x3FAC] =	sst s0  }
0x9: {  	[smem:$0x3FAD] =	sst s1  }
0xa: {  	[smem:$0x3FAE] =	sst s2  }
0xb: {  	[smem:$0x3FAF] =	sst s3  }
0xc: {  	[smem:$0x3FB0] =	sst s4  }
0xd: {  	[smem:$0x3FB1] =	sst s5  }
0xe: {  	[smem:$0x3FB2] =	sst s6  }
0xf: {  	[smem:$0x3FB3] =	sst s7  }
0x10: {  	[smem:$0x3FB4] =	sst s8  }
0x11: {  	[smem:$0x3FB5] =	sst s9;
	s0 =	simm.s32 @!p0 $0x0  }
0x12: {  	s1 =	sld [smem:$0x3F9B];
	s0 =	simm.s32 @p0 $0x1  }
0x13: {  	[smem:$0x3FB6] =	sst s0;
	s0 =	simm.s32 @!p1 $0x0  }
0x14: {  	s2 =	sld [smem:$0x3F9A];
	s0 =	simm.s32 @p1 $0x1  }
0x15: {  	[smem:$0x3FB7] =	sst s0;
	s0 =	simm.s32 @!p2 $0x0  }
0x16: {  	s3 =	sld [smem:$0x3FDB];
	s0 =	simm.s32 @p2 $0x1  }
0x17: {  	s4 =	simm.s32 $0x1BF5;
	[smem:$0x3FB9] =	sst s0  }
0x18: {  	s0 =	sld [smem:$0x3F9C];
	_ =	swait.ge [sflag:s4], $0x0  }
0x19: {  	s7 =	sld [smem:$0x3F9D]  }
0x1a: {  	s8 =	sadd.s32 $0xFFFFE003, lr  }
0x1b: {  	s9 =	sadd.s32 $0xFFFFFEF7, lr;
	s5 =	simm.s32 $0xFFFFFFFF;
	p2 =	slt.u32 s8, $0xFFFFF086  }
0x1c: {  	p1 =	slt.u32 s9, $0xF7A;
	s5 =	simm.s32 @!p2 $0x0  }
0x1d: {  	s5 =	simm.s32 @p1 $0x1;
	p0 =	seq.s32 s7, s2  }
0x1e: {  	s7 =	smul.u32 @!p0 $0xF7A, s2;
	p2 =	seq.s32 @!p0 s5, $0x0  }
0x1f: {  	s9 =	smul.u32 $0xF7A, s1;
	s8 =	simm.s32 @!p0 $0x1BF5;
	p2 =	por !p2, p0  }
0x20: {  	[sflag:s8] =	ssyncset.s32 @!p0 $0xFFFFF086;
	s6 =	sadd.s32 @!p0 s3, s7;
	s7 =	simm.s32 @!p0 $0x108  }
0x21: {  	s3 =	sadd.s32 s3, s9;
	s6 =	sadd.s32 @!p0 $0x88, s6;
	s7 =	simm.s32 @p2 $0x1082  }
0x22: {  	[simem:s7], [sflag:s8] =	dma.local @!p0 [hbm:s6], $0xF7A  }
0x23: {  	s9 =	sor.u32 $0xD0000000, s2;
	s6 =	simm.s32 $0x108;
	_ =	swait.ge @!p0 [sflag:s8], $0x0  }
0x24: {  	s3 =	sadd.s32 $0x88, s3;
	s6 =	simm.s32 @!p1 $0x1082;
	[sflag:s4] =	ssyncset.s32 $0xFFFFF086  }
0x25: {  	[simem:s6], [sflag:s4] =	dma.local [hbm:s3], $0xF7A  }
0x26: {  	[smem:$0x3F9D] =	sst s1;
	(tag) =	ssettag s2;
	_ =	strace s9  }
0x27: {  	s1 =	sld [smem:$0x3FAD]  }
0x28: {  	s2 =	sld [smem:$0x3FAE]  }
0x29: {  	s4 =	sld [smem:$0x3FB0]  }
0x2a: {  	p0 =	seq.s32 s5, $0x0;
	s5 =	sld [smem:$0x3FB1]  }
0x2b: {  	s6 =	sld [smem:$0x3FB2]  }
0x2c: {  	s7 =	sld [smem:$0x3FB3]  }
0x2d: {  	s3 =	simm.s32 $0x108;
	s8 =	sld [smem:$0x3FB4]  }
0x2e: {  	s3 =	simm.s32 @!p0 $0x1082;
	s9 =	sld [smem:$0x3FB5]  }
0x2f: {  	lr =	sadd.s32 s0, s3;
	s0 =	sld [smem:$0x3FAC]  }
0x30: {  	s3 =	sld [smem:$0x3FAF]  }
0x31: {  	[smem:$0x3FB8] =	sst s10  }
0x32: {  	s10 =	sld [smem:$0x3FB6];
	_ =	sdelay $0x3  }
0x33: {  	p0 =	seq.s32 s10, $0x1;
	s10 =	sld [smem:$0x3FB8];
	_ =	sdelay $0x3  }
0x34: {  	[smem:$0x3FB8] =	sst s10  }
0x35: {  	s10 =	sld [smem:$0x3FB7];
	_ =	sdelay $0x3  }
0x36: {  	p1 =	seq.s32 s10, $0x1;
	s10 =	sld [smem:$0x3FB8];
	_ =	sdelay $0x3  }
0x37: {  	[smem:$0x3FB8] =	sst s10  }
0x38: {  	s10 =	sld [smem:$0x3FB9]  }
0x39: {  	_ = 	snop;
	(pc) =	sbr.ind lr, $3  }
0x3a: {  	_ = 	snop  }
0x3b: {  	_ = 	snop  }
0x3c: {  	p2 =	seq.s32 s10, $0x1;
	s10 =	sld [smem:$0x3FB8]  }
0x3d: {  	_ =	shalt  }
0x3e: {  	_ =	shalt  }
0x3f: {  	_ =	shalt  }
0x40: {  	_ =	shalt  }
0x41: {  	_ =	shalt  }
0x42: {  	_ =	shalt  }
0x43: {  	_ =	shalt  }
0x44: {  	_ =	shalt  }
0x45: {  	_ =	shalt  }
0x46: {  	_ =	shalt  }
0x47: {  	_ =	shalt  }
0x48: {  	_ =	shalt  }
0x49: {  	_ =	shalt  }
0x4a: {  	_ =	shalt  }
0x4b: {  	_ =	shalt  }
0x4c: {  	_ =	shalt  }
0x4d: {  	_ =	shalt  }
0x4e: {  	_ =	shalt  }
0x4f: {  	_ =	shalt  }
0x50: {  	_ =	shalt  }
0x51: {  	_ =	shalt  }
0x52: {  	_ =	shalt  }
0x53: {  	_ =	shalt  }
0x54: {  	_ =	shalt  }
0x55: {  	_ =	shalt  }
0x56: {  	_ =	shalt  }
0x57: {  	_ =	shalt  }
0x58: {  	_ =	shalt  }
0x59: {  	_ =	shalt  }
0x5a: {  	_ =	shalt  }
0x5b: {  	_ =	shalt  }
0x5c: {  	_ =	shalt  }
0x5d: {  	_ =	shalt  }
0x5e: {  	_ =	shalt  }
0x5f: {  	_ =	shalt  }
0x60: {  	_ =	shalt  }
0x61: {  	_ =	shalt  }
0x62: {  	_ =	shalt  }
0x63: {  	_ =	shalt  }
0x64: {  	_ =	shalt  }
0x65: {  	_ =	shalt  }
0x66: {  	_ =	shalt  }
0x67: {  	_ =	shalt  }
0x68: {  	_ =	shalt  }
0x69: {  	_ =	shalt  }
0x6a: {  	_ =	shalt  }
0x6b: {  	_ =	shalt  }
0x6c: {  	_ =	shalt  }
0x6d: {  	_ =	shalt  }
0x6e: {  	_ =	shalt  }
0x6f: {  	_ =	shalt  }
0x70: {  	_ =	shalt  }
0x71: {  	_ =	shalt  }
0x72: {  	_ =	shalt  }
0x73: {  	_ =	shalt  }
0x74: {  	_ =	shalt  }
0x75: {  	_ =	shalt  }
0x76: {  	_ =	shalt  }
0x77: {  	_ =	shalt  }
0x78: {  	_ =	shalt  }
0x79: {  	_ =	shalt  }
0x7a: {  	_ =	shalt  }
0x7b: {  	_ =	shalt  }
0x7c: {  	_ =	shalt  }
0x7d: {  	_ =	shalt  }
0x7e: {  	_ =	shalt  }
0x7f: {  	_ =	shalt  }
0x80: {  	_ =	shalt  }
0x81: {  	_ =	shalt  }
0x82: {  	_ =	shalt  }
0x83: {  	_ =	shalt  }
0x84: {  	_ =	shalt  }
0x85: {  	_ =	shalt  }
0x86: {  	_ =	shalt  }
0x87: {  	_ =	shalt  }
.Lfunc_end0:
.L_simem_size_0:
called_computation_lowered:
.L_overlay_start_0:
0x88: {  	s2 =	sld [smem:$0x3FD9]  }
0x89: {  	s3 =	sld [smem:$0x3FFE];
	_ =	sdelay $0x1  }
0x8a: {  	s1 =	srdreg.scid  }
0x8b: {  	s0 =	sand.u32 $0x1, s1  }
0x8c: {  	s17 =	sshll.u32 s0, $0xA;
	s2 =	sadd.s32 s3, s2  }
0x8d: {  	s2 =	sadd.s32 s2, s17  }
0x8e: {  	[smem:$0x3FC4] =	sst s2  }
0x8f: {  	_ = 	snop  }
0x90: {  	s2 =	sld [smem:$0x3FC9]  }
0x91: {  	s18 =	sld [smem:$0x3FD0];
	(tm) =	ssettm $0x1  }
0x92: {  	s4 =	sld [smem:$0x3FFB];
	_ =	sdelay $0x3  }
0x93: {  	_ =	strace s4  }
0x94: {  	s4 =	sld [smem:$0x3FFC];
	_ =	sdelay $0x3  }
0x95: {  	_ =	strace s4  }
0x96: {  	s4 =	sld [smem:$0x3FFD];
	_ =	sdelay $0x3  }
0x97: {  	_ =	strace s4  }
0x98: {  	_ =	strace $0x8FFFFFFF  }
0x99: {  	s19 =	sld [smem:$0x3FDB];
	_ =	sdelay $0x1  }
0x9a: {  	s5 =	simm.s32 $_scs_section_size  }
0x9b: {  	s6 =	simm.s32 $_size__tile_overlayer_lowered;
	s7 =	simm.s32 $_tile_overlayer_lowered  }
0x9c: {  	s22 =	simm.s32 $0x1BFF;
	s21 =	sshll.u32 s7, $0x1;
	s4 =	sadd.s32 s5, s19  }
0x9d: {  	s8 =	simm.s32 $0x0;
	s20 =	sshll.u32 s6, $0x1;
	s6 =	sadd.s32 s21, s4  }
0x9e: {  	[timem:s8], [sflag:s22] =	dma.local [hbm:s6], s20  }
0x9f: {  	_ =	swait.ge [sflag:s22], s20  }
0xa0: {  	s5 =	ssub.s32 $0x0, s20;
	[sflag:s22] =	ssyncset.done $0x0  }
0xa1: {  	[sflag:s22] =	ssyncadd.s32 s5;
	_ =	sdelay $0x1  }
0xa2: {  	s23 =	simm.s32 $0x1B8B  }
0xa3: {  	_ =	swait.ge [sflag:s23], $0x1  }
0xa4: {  	[sflag:s23] =	ssyncset.done $0x0  }
0xa5: {  	s25 =	simm.s32 $0x1B8E;
	s24 =	sld [smem:$0x3FFE];
	[sflag:s23] =	ssyncadd.s32 $0xFFFFFFFF  }
0xa6: {  	s26 =	simm.s32 $execute0_lowered;
	[smem:$0x3FD2] =	sst s25  }
0xa7: {  	s6 =	sshll.u32 s26, $0x1;
	_ =	strace $0x80000046;
	[dreg:$0x1] =	wrdreg $0xFFFFFFFF  }
0xa8: {  	s28 =	simm.s32 $_size_execute0_lowered;
	s4 =	sadd.s32 s4, s6;
	[dreg:$0x0] =	wrdreg $0x0  }
0xa9: {  	s6 =	sshll.u32 s28, $0x1;
	[dreg:$0x2] =	wrdreg s4  }
0xaa: {  	[dreg:$0x3] =	wrdreg s6  }
0xab: {  	[dreg:$0x4] =	wrdreg $0xC0  }
0xac: {  	_ =	task [dreg:s8], $0x5FFFF  }
0xad: {  	[dreg:$0x1] =	wrdreg $0xFFFFFFFF  }
0xae: {  	[dreg:$0x0] =	wrdreg $0x60  }
0xaf: {  	[dreg:$0x2] =	wrdreg s2  }
0xb0: {  	[dreg:$0x3] =	wrdreg s18  }
0xb1: {  	[dreg:$0x4] =	wrdreg s24  }
0xb2: {  	[dreg:$0x5] =	wrdreg $0xB8000  }
0xb3: {  	[dreg:$0x6] =	wrdreg $0x9  }
0xb4: {  	_ =	task.clear_ibuf [dreg:s8], $0x7FFFF;
	_ =	strace $0x90000046  }
0xb5: {  	s29 =	simm.s32 $0x9;
	_ =	strace $0x8000004E  }
0xb6: {  	_ =	swait.ge [sflag:s29], $0x1  }
0xb7: {  	[sflag:s29] =	ssyncadd.s32 $0xFFFFFFFF  }
0xb8: {  	_ =	strace $0x9000004E  }
0xb9: {  	_ =	sfence  }
0xba: {  	s30 =	sld [smem:$0x0];
	_ =	sdelay $0x2  }
0xbb: {  	s31 =	sshll.u32 s1, $0xD;
	s1 =	sshrl.u32 s1, $0x2  }
0xbc: {  	s3 =	sand.u32 $0x4000, s31;
	s1 =	sadd.s32 s1, s30  }
0xbd: {  	s0 =	sor.u32 s3, s0;
	s1 =	sshll.u32 s1, $0x11  }
0xbe: {  	s0 =	sor.u32 s1, s0  }
0xbf: {  	s0 =	sadd.s32 $0x8F2B, s0  }
0xc0: {  	[sflag:s0] =	ssyncadd.remote.s32 $0x1  }
0xc1: {  	_ =	sfence.sel $0xFFFF  }
0xc2: {  	[dreg:$0x0] =	wrdreg $0xFFFFFFFF;
	(pc) =	sbr.abs _section_cstart, $3  }
0xc3: {  	[dreg:$0x1] =	wrdreg $0xFFFFFFFF  }
0xc4: {  	_ =	task.clear_ibuf [dreg:s8], $0x2FFFF;
	_ =	strace $0x9FFFFFFF  }
0xc5: {  	(tm) =	ssettm $0x7FFFFFFF  }
tec
execute0_lowered:
.L_overlay_start_1:
0x0: {  	(tag) =	ssettag $0x1  }
0x1: {  	s0 =	rddreg [dreg:$0x0]  }
0x2: {  	s3 =	rddreg [dreg:$0x1]  }
0x3: {  	s7 =	rddreg [dreg:$0x2];
	s1 =	srdreg.scid  }
0x4: {  	s4 =	rddreg [dreg:$0x3];
	s2 =	stileid.u32;
	s17 =	simm.s32 $0x3  }
0x5: {  	s19 =	simm.s32 $0x80;
	s20 =	simm.s32 $0x7800;
	s21 =	simm.s32 $0x3800  }
0x6: {  	s22 =	simm.s32 $0x1;
	s28 =	simm.s32 $0x400;
	s9 =	smul.u32 $0x14000, s2  }
0x7: {  	s29 =	simm.s32 $0x0;
	s8 =	sand.u32 $0x1, s1;
	s24 =	smul.u32 $0x50000, s2  }
0x8: {  	s5 =	sshll.u32 s2, $0x1;
	s11 =	sshrl.u32 s2, $0x2;
	s6 =	smul.u32 $0x140000, s8  }
0x9: {  	s10 =	sor.u32 s8, s5;
	s5 =	simm.s32 $0x0;
	s11 =	smul.u32 $0x14000, s11  }
0xa: {  	s25 =	ssub.s32 $0x2, s8;
	s12 =	sshll.u32 s10, $0x7;
	[smem:$0x7FF] =	sst s5  }
0xb: {  	s30 =	sshrl.u32 s24, $0x2;
	s31 =	sshrl.u32 s25, $0x1;
	s24 =	simm.s32 $0x2  }
0xc: {  	s12 =	sand.u32 $0x380, s12;
	s9 =	sadd.s32 s9, s6;
	s6 =	smul.u32 $0x2800, s10  }
0xd: {  	_ =	strace $0x80000047;
	s8 =	sadd.s32 s30, s4;
	s16 =	ssub.s32 s25, s31  }
0xe: {  	s25 =	simm.s32 $0xF00;
	s11 =	sor.u32 s11, s12;
	s9 =	sshrl.u32 s9, $0x3  }
0xf: {  	s10 =	sadd.s32 $0x4000, s8;
	s12 =	sadd.s32 $0xC000, s8;
	s13 =	sadd.s32 $0x10000, s8  }
0x10: {  	s16 =	smax.u32 s16, $0x1;
	s23 =	sshrl.u32 s11, $0x3;
	s14 =	sadd.s32 s9, s7  }
0x11: {  	s26 =	sshrl.u32 s6, $0x3;
	s11 =	sadd.s32 $0x8000, s8;
	s15 =	sadd.s32 s23, s7  }
0x12: {  	s7 =	sadd.s32 s3, s26;
	s14 =	sadd.s32 $0x1A00, s14;
	s23 =	simm.s32 $0x1000  }
0x13: {  	v0 =	vimm.f32 $0.0e+00;
	v1 =	vimm.f32 $1.000000000e+00;
	s26 =	simm.s32 $0xF80;
	s9 =	sadd.s32 $0xA000, s7;
	s15 =	sadd.s32 $0x51A00, s15  }
.LBB2_1:
0x14: {  	_ =	strace $0x80000048  }
0x15: {  	[tilespmem:s5], [sflag:$0x3] =	stream.linear.gather [hbm4b:s7+s5], $0x800, $0x200038;
	[tilespmem:$0x1F800] =	vst v63  }
0x16: {  	_ =	swait.ge [sflag:s17], $0x800  }
0x17: {  	[sflag:s17] =	ssyncset.done $0x0  }
0x18: {  	s1 =	simm.s32 $0x800;
	[sflag:s17] =	ssyncadd.s32 $0xFFFFF800  }
0x19: {  	[tilespmem:s1], [sflag:$0x3] =	stream.linear.gather [hbm4b:s9+s5], $0x800, $0x200038;
	[tilespmem:$0x1F800] =	vst v63  }
0x1a: {  	_ =	swait.ge [sflag:s17], $0x800  }
0x1b: {  	[sflag:s17] =	ssyncset.done $0x0  }
0x1c: {  	[sflag:s17] =	ssyncadd.s32 $0xFFFFF800  }
0x1d: {  	[tilespmem:s20], [sflag:$0x2] =	stream.indirect.gather [hbm4b:s0+s19], $0x80, s19, s19, $0x2000b8;
	[tilespmem:$0x1F800] =	vst v63  }
0x1e: {  	_ =	strace $0x90000048  }
0x1f: {  	s30 =	simm.s32 $0x0;
	s31 =	simm.s32 $0x200;
	_ =	strace $0x80000049  }
.LBB2_2:
0x20: {  	p0 =	sne.s32 s31, $0xFE00;
	[tilespmem:s30+$0x3870] =	vst v0  }
0x21: {  	[tilespmem:s30+$0x3800] =	vst v0  }
0x22: {  	[tilespmem:s30+$0x3810] =	vst v0  }
.Ltmp0:
0x23: {  	[tilespmem:s30+$0x3820] =	vst v0;
	(pc) =	sbr.rel @p0 .LBB2_2-.Ltmp0, $4  }
0x24: {  	[tilespmem:s30+$0x3830] =	vst v0  }
0x25: {  	[tilespmem:s30+$0x3840] =	vst v0  }
0x26: {  	[tilespmem:s30+$0x3850] =	vst v0  }
0x27: {  	[tilespmem:s30+$0x3860] =	vst v0;
	s30 =	sshra.s32 s31, $0x2;
	s31 =	sadd.s32 $0x200, s31  }
0x28: {  	[tilespmem:s30+$0x3870] =	vst v0  }
0x29: {  	[tilespmem:s30+$0x3800] =	vst v0  }
0x2a: {  	[tilespmem:s30+$0x3810] =	vst v0  }
0x2b: {  	[tilespmem:s30+$0x3820] =	vst v0  }
0x2c: {  	[tilespmem:s30+$0x3830] =	vst v0  }
0x2d: {  	[tilespmem:s30+$0x3840] =	vst v0  }
0x2e: {  	[tilespmem:s30+$0x3850] =	vst v0  }
0x2f: {  	[tilespmem:s30+$0x3860] =	vst v0;
	s30 =	simm.s32 $0x40;
	s31 =	simm.s32 $0x0  }
.LBB2_4:
0x30: {  	p0 =	sne.s32 s30, $0x9FC0;
	[tilespmem:s31+$0x1000] =	vst v0;
	s31 =	smov.u32 s30;
	s30 =	sadd.s32 $0x40, s30  }
.Ltmp1:
0x31: {  	(pc) =	sbr.rel @p0 .LBB2_4-.Ltmp1, $2  }
0x32: {  	_ =	sdelay $0x2  }
0x33: {  	s31 =	sshra.s32 s31, $0x2  }
0x34: {  	[tilespmem:s31+$0x1000] =	vst v0  }
0x35: {  	[spmem:s8] =	stream.linear.scatter [tilespmem:s21], [sflag:$0x3], $0x4000, $0x200038;
	[tilespmem:$0x1F800] =	vst v63  }
0x36: {  	_ =	swait.ge [sflag:s17], $0x4000  }
0x37: {  	[sflag:s17] =	ssyncset.done $0x0  }
0x38: {  	[sflag:s17] =	ssyncadd.s32 $0xFFFFC000  }
0x39: {  	[spmem:s10] =	stream.linear.scatter [tilespmem:s21], [sflag:$0x3], $0x4000, $0x200038;
	[tilespmem:$0x1F800] =	vst v63  }
0x3a: {  	_ =	swait.ge [sflag:s17], $0x4000  }
0x3b: {  	[sflag:s17] =	ssyncset.done $0x0  }
0x3c: {  	[sflag:s17] =	ssyncadd.s32 $0xFFFFC000  }
0x3d: {  	[spmem:s11] =	stream.linear.scatter [tilespmem:s21], [sflag:$0x3], $0x4000, $0x200038;
	[tilespmem:$0x1F800] =	vst v63  }
0x3e: {  	_ =	swait.ge [sflag:s17], $0x4000  }
0x3f: {  	[sflag:s17] =	ssyncset.done $0x0  }
0x40: {  	[sflag:s17] =	ssyncadd.s32 $0xFFFFC000  }
0x41: {  	[spmem:s12] =	stream.linear.scatter [tilespmem:s21], [sflag:$0x3], $0x4000, $0x200038;
	[tilespmem:$0x1F800] =	vst v63  }
0x42: {  	_ =	swait.ge [sflag:s17], $0x4000  }
0x43: {  	[sflag:s17] =	ssyncset.done $0x0  }
0x44: {  	[sflag:s17] =	ssyncadd.s32 $0xFFFFC000  }
0x45: {  	[spmem:s13] =	stream.linear.scatter [tilespmem:s21], [sflag:$0x3], $0x4000, $0x200038;
	[tilespmem:$0x1F800] =	vst v63  }
0x46: {  	_ =	swait.ge [sflag:s17], $0x4000  }
0x47: {  	[sflag:s17] =	ssyncset.done $0x0  }
0x48: {  	[sflag:s17] =	ssyncadd.s32 $0xFFFFC000  }
0x49: {  	s30 =	simm.s32 $0x0;
	_ =	strace $0x90000049  }
0x4a: {  	[tilespmem:s21], [sflag:$0x1] =	stream.indirect.gather [hbm4b:s0+s19], $0x80, s30, s19, $0xb8;
	[tilespmem:$0x1F800] =	vst v63  }
0x4b: {  	_ =	strace $0x8000004A  }
0x4c: {  	[bflag:$0x0] =	sbarrier.arrive $0xFFFF  }
0x4d: {  	_ =	strace $0x9000004A  }
0x4e: {  	_ =	strace $0x8000004B  }
.LBB2_6:
0x4f: {  	s31 =	simm.s32 $0x0  }
.LBB2_7:
0x50: {  	_ =	swait.ge [sflag:s22], $0x4000  }
0x51: {  	s1 =	sshra.s32 s31, $0x2;
	[sflag:s22] =	ssyncset.done $0x0  }
0x52: {  	s18 =	sadd.s32 $0x800, s1;
	[sflag:s22] =	ssyncadd.s32 $0xFFFFC000  }
0x53: {  	[spmem:s4] =	stream.indirect.scatter.add.f32 [tilespmem:s21], [sflag:$0x3], $0x80, s18, s19, $0x2000b8;
	[tilespmem:$0x1F800] =	vst v63  }
0x54: {  	_ =	swait.ge [sflag:s17], $0x4000  }
0x55: {  	[sflag:s17] =	ssyncset.done $0x0  }
0x56: {  	s2 =	sadd.s32 $0x100, s1;
	[sflag:s17] =	ssyncadd.s32 $0xFFFFC000  }
0x57: {  	[tilespmem:s21], [sflag:$0x1] =	stream.indirect.gather [hbm4b:s0+s19], $0x80, s2, s19, $0x2000b8;
	[tilespmem:$0x1F800] =	vst v63  }
0x58: {  	v2 =	vld [tilespmem:s1+$0x800];
	_ =	sdelay $0x7  }
0x59: {  	[tilespmem:v2+s23+$0x0] =	vst.idx.add.f32.msk $0xffff, v1  }
0x5a: {  	v2 =	vld [tilespmem:s1+$0x810];
	_ =	sdelay $0x7  }
0x5b: {  	[tilespmem:v2+s23+$0x0] =	vst.idx.add.f32.msk $0xffff, v1  }
0x5c: {  	v2 =	vld [tilespmem:s1+$0x820];
	_ =	sdelay $0x7  }
0x5d: {  	[tilespmem:v2+s23+$0x0] =	vst.idx.add.f32.msk $0xffff, v1  }
0x5e: {  	v2 =	vld [tilespmem:s1+$0x830];
	_ =	sdelay $0x7  }
0x5f: {  	[tilespmem:v2+s23+$0x0] =	vst.idx.add.f32.msk $0xffff, v1  }
0x60: {  	v2 =	vld [tilespmem:s1+$0x840];
	_ =	sdelay $0x7  }
0x61: {  	[tilespmem:v2+s23+$0x0] =	vst.idx.add.f32.msk $0xffff, v1  }
0x62: {  	v2 =	vld [tilespmem:s1+$0x850];
	_ =	sdelay $0x7  }
0x63: {  	[tilespmem:v2+s23+$0x0] =	vst.idx.add.f32.msk $0xffff, v1  }
0x64: {  	v2 =	vld [tilespmem:s1+$0x860];
	_ =	sdelay $0x7  }
0x65: {  	[tilespmem:v2+s23+$0x0] =	vst.idx.add.f32.msk $0xffff, v1  }
0x66: {  	v2 =	vld [tilespmem:s1+$0x870];
	_ =	sdelay $0x7  }
0x67: {  	[tilespmem:v2+s23+$0x0] =	vst.idx.add.f32.msk $0xffff, v1  }
0x68: {  	_ =	swait.ge [sflag:s24], $0x4000  }
0x69: {  	[sflag:s24] =	ssyncset.done $0x0  }
0x6a: {  	s2 =	sadd.s32 $0x880, s1;
	[sflag:s24] =	ssyncadd.s32 $0xFFFFC000  }
0x6b: {  	[spmem:s4] =	stream.indirect.scatter.add.f32 [tilespmem:s20], [sflag:$0x3], $0x80, s2, s19, $0x2000b8;
	[tilespmem:$0x1F800] =	vst v63  }
0x6c: {  	_ =	swait.ge [sflag:s17], $0x4000  }
0x6d: {  	[sflag:s17] =	ssyncset.done $0x0  }
0x6e: {  	s2 =	sadd.s32 $0x180, s1;
	[sflag:s17] =	ssyncadd.s32 $0xFFFFC000  }
0x6f: {  	[tilespmem:s20], [sflag:$0x2] =	stream.indirect.gather [hbm4b:s0+s19], $0x80, s2, s19, $0x2000b8;
	[tilespmem:$0x1F800] =	vst v63  }
0x70: {  	v2 =	vld [tilespmem:s1+$0x880];
	_ =	sdelay $0x7  }
0x71: {  	[tilespmem:v2+s23+$0x0] =	vst.idx.add.f32.msk $0xffff, v1  }
0x72: {  	v2 =	vld [tilespmem:s1+$0x890];
	_ =	sdelay $0x7  }
0x73: {  	[tilespmem:v2+s23+$0x0] =	vst.idx.add.f32.msk $0xffff, v1  }
0x74: {  	v2 =	vld [tilespmem:s1+$0x8A0];
	_ =	sdelay $0x7  }
0x75: {  	[tilespmem:v2+s23+$0x0] =	vst.idx.add.f32.msk $0xffff, v1  }
0x76: {  	v2 =	vld [tilespmem:s1+$0x8B0];
	_ =	sdelay $0x7  }
0x77: {  	[tilespmem:v2+s23+$0x0] =	vst.idx.add.f32.msk $0xffff, v1  }
0x78: {  	v2 =	vld [tilespmem:s1+$0x8C0];
	_ =	sdelay $0x7  }
0x79: {  	[tilespmem:v2+s23+$0x0] =	vst.idx.add.f32.msk $0xffff, v1  }
0x7a: {  	v2 =	vld [tilespmem:s1+$0x8D0];
	_ =	sdelay $0x7  }
0x7b: {  	[tilespmem:v2+s23+$0x0] =	vst.idx.add.f32.msk $0xffff, v1  }
0x7c: {  	v2 =	vld [tilespmem:s1+$0x8E0];
	_ =	sdelay $0x7  }
0x7d: {  	[tilespmem:v2+s23+$0x0] =	vst.idx.add.f32.msk $0xffff, v1  }
0x7e: {  	v2 =	vld [tilespmem:s1+$0x8F0];
	_ =	sdelay $0x2  }
0x7f: {  	p0 =	sne.s32 s31, $0x1800  }
.Ltmp2:
0x80: {  	_ = 	snop;
	(pc) =	sbr.rel @p0 .LBB2_7-.Ltmp2, $2  }
0x81: {  	_ =	sdelay $0x2  }
0x82: {  	s31 =	sadd.s32 $0x400, s31;
	[tilespmem:v2+s23+$0x0] =	vst.idx.add.f32.msk $0xffff, v1  }
0x83: {  	_ =	swait.ge [sflag:s22], $0x4000  }
0x84: {  	[sflag:s22] =	ssyncset.done $0x0  }
0x85: {  	[sflag:s22] =	ssyncadd.s32 $0xFFFFC000  }
0x86: {  	[spmem:s4] =	stream.indirect.scatter.add.f32 [tilespmem:s21], [sflag:$0x3], $0x80, s25, s19, $0x2000b8;
	[tilespmem:$0x1F800] =	vst v63  }
0x87: {  	_ =	swait.ge [sflag:s17], $0x4000  }
0x88: {  	[sflag:s17] =	ssyncset.done $0x0  }
0x89: {  	[sflag:s17] =	ssyncadd.s32 $0xFFFFC000  }
0x8a: {  	v2 =	vld [tilespmem:$0xF00];
	_ =	sdelay $0x7  }
0x8b: {  	[tilespmem:v2+s23+$0x0] =	vst.idx.add.f32.msk $0xffff, v1  }
0x8c: {  	v2 =	vld [tilespmem:$0xF10];
	_ =	sdelay $0x7  }
0x8d: {  	[tilespmem:v2+s23+$0x0] =	vst.idx.add.f32.msk $0xffff, v1  }
0x8e: {  	v2 =	vld [tilespmem:$0xF20];
	_ =	sdelay $0x7  }
0x8f: {  	[tilespmem:v2+s23+$0x0] =	vst.idx.add.f32.msk $0xffff, v1  }
0x90: {  	v2 =	vld [tilespmem:$0xF30];
	_ =	sdelay $0x7  }
0x91: {  	[tilespmem:v2+s23+$0x0] =	vst.idx.add.f32.msk $0xffff, v1  }
0x92: {  	v2 =	vld [tilespmem:$0xF40];
	_ =	sdelay $0x7  }
0x93: {  	[tilespmem:v2+s23+$0x0] =	vst.idx.add.f32.msk $0xffff, v1  }
0x94: {  	v2 =	vld [tilespmem:$0xF50];
	_ =	sdelay $0x7  }
0x95: {  	[tilespmem:v2+s23+$0x0] =	vst.idx.add.f32.msk $0xffff, v1  }
0x96: {  	v2 =	vld [tilespmem:$0xF60];
	_ =	sdelay $0x7  }
0x97: {  	[tilespmem:v2+s23+$0x0] =	vst.idx.add.f32.msk $0xffff, v1  }
0x98: {  	v2 =	vld [tilespmem:$0xF70];
	_ =	sdelay $0x7  }
0x99: {  	[tilespmem:v2+s23+$0x0] =	vst.idx.add.f32.msk $0xffff, v1  }
0x9a: {  	_ =	swait.ge [sflag:s24], $0x4000  }
0x9b: {  	[sflag:s24] =	ssyncset.done $0x0  }
0x9c: {  	[sflag:s24] =	ssyncadd.s32 $0xFFFFC000  }
0x9d: {  	[spmem:s4] =	stream.indirect.scatter.add.f32 [tilespmem:s20], [sflag:$0x3], $0x80, s26, s19, $0x2000b8;
	[tilespmem:$0x1F800] =	vst v63  }
0x9e: {  	_ =	swait.ge [sflag:s17], $0x4000  }
0x9f: {  	[sflag:s17] =	ssyncset.done $0x0  }
0xa0: {  	[sflag:s17] =	ssyncadd.s32 $0xFFFFC000  }
0xa1: {  	v2 =	vld [tilespmem:$0xF80];
	_ =	sdelay $0x7  }
0xa2: {  	[tilespmem:v2+s23+$0x0] =	vst.idx.add.f32.msk $0xffff, v1  }
0xa3: {  	v2 =	vld [tilespmem:$0xF90];
	_ =	sdelay $0x7  }
0xa4: {  	[tilespmem:v2+s23+$0x0] =	vst.idx.add.f32.msk $0xffff, v1  }
0xa5: {  	v2 =	vld [tilespmem:$0xFA0];
	_ =	sdelay $0x7  }
0xa6: {  	[tilespmem:v2+s23+$0x0] =	vst.idx.add.f32.msk $0xffff, v1  }
0xa7: {  	v2 =	vld [tilespmem:$0xFB0];
	_ =	sdelay $0x7  }
0xa8: {  	[tilespmem:v2+s23+$0x0] =	vst.idx.add.f32.msk $0xffff, v1  }
0xa9: {  	v2 =	vld [tilespmem:$0xFC0];
	_ =	sdelay $0x7  }
0xaa: {  	[tilespmem:v2+s23+$0x0] =	vst.idx.add.f32.msk $0xffff, v1  }
0xab: {  	v2 =	vld [tilespmem:$0xFD0];
	_ =	sdelay $0x7  }
0xac: {  	[tilespmem:v2+s23+$0x0] =	vst.idx.add.f32.msk $0xffff, v1  }
0xad: {  	v2 =	vld [tilespmem:$0xFE0];
	_ =	sdelay $0x7  }
0xae: {  	[tilespmem:v2+s23+$0x0] =	vst.idx.add.f32.msk $0xffff, v1  }
0xaf: {  	v2 =	vld [tilespmem:$0xFF0];
	_ =	sdelay $0x2  }
0xb0: {  	p0 =	seq.s32 s30, $0x4  }
0xb1: {  	s30 =	sadd.s32 @!p0 $0x1, s30  }
0xb2: {  	s1 =	sshll.u32 @!p0 s30, $0xB  }
0xb3: {  	s1 =	sadd.s32 @!p0 s6, s1  }
0xb4: {  	s1 =	sshrl.u32 @!p0 s1, $0x3  }
0xb5: {  	s18 =	simm.s32 @!p0 $0x0;
	s31 =	simm.s32 @!p0 $0x3;
	s1 =	sadd.s32 @!p0 s3, s1;
	[tilespmem:v2+s23+$0x0] =	vst.idx.add.f32.msk $0xffff, v1  }
0xb6: {  	[tilespmem:s18], [sflag:$0x3] =	stream.linear.gather @!p0 [hbm4b:s1+s18], $0x800, $0x200038;
	[tilespmem:$0x1F800] =	vst v63  }
0xb7: {  	_ =	swait.ge @!p0 [sflag:s31], $0x800  }
0xb8: {  	[sflag:s31] =	ssyncset.done @!p0 $0x0  }
0xb9: {  	s2 =	simm.s32 @!p0 $0x800;
	s1 =	sadd.s32 @!p0 $0xA000, s1;
	[sflag:s31] =	ssyncadd.s32 @!p0 $0xFFFFF800  }
0xba: {  	[tilespmem:s2], [sflag:$0x3] =	stream.linear.gather @!p0 [hbm4b:s1+s18], $0x800, $0x200038;
	[tilespmem:$0x1F800] =	vst v63  }
0xbb: {  	_ =	swait.ge @!p0 [sflag:s31], $0x800  }
0xbc: {  	[sflag:s31] =	ssyncset.done @!p0 $0x0  }
0xbd: {  	s1 =	simm.s32 @!p0 $0x80;
	s2 =	simm.s32 @!p0 $0x3800;
	[sflag:s31] =	ssyncadd.s32 @!p0 $0xFFFFF800  }
0xbe: {  	[tilespmem:s2], [sflag:$0x1] =	stream.indirect.gather @!p0 [hbm4b:s0+s1], $0x80, s18, s1, $0x2000b8;
	[tilespmem:$0x1F800] =	vst v63  }
0xbf: {  	p1 =	sne.s32 @!p0 s30, $0x5;
	s2 =	simm.s32 @!p0 $0x7800  }
0xc0: {  	[tilespmem:s2], [sflag:$0x2] =	stream.indirect.gather @!p0 [hbm4b:s0+s1], $0x80, s1, s1, $0x2000b8;
	[tilespmem:$0x1F800] =	vst v63  }
0xc1: {  	p0 =	por p0, !p1  }
.Ltmp3:
0xc2: {  	_ = 	snop;
	(pc) =	sbr.rel @!p0 .LBB2_6-.Ltmp3, $1  }
0xc3: {  	_ =	sdelay $0x3  }
0xc4: {  	_ =	strace $0x9000004B  }
0xc5: {  	_ =	strace $0x8000004C  }
0xc6: {  	s1 =	stileid.u32;
	[bflag:$0x0] =	sbarrier.arrive $0xFFFF  }
0xc7: {  	s1 =	sshll.u32 s1, $0x6;
	_ =	strace $0x9000004C  }
0xc8: {  	s2 =	sshrl.u32 s8, $0x3;
	s1 =	sor.u32 $0x1C03, s1;
	_ =	strace $0x8000004D  }
0xc9: {  	[hbm:s14], [sflag:s1] =	dma.local [spmem:s2], $0x2800  }
0xca: {  	_ =	swait.ge [sflag:s17], $0x2800  }
0xcb: {  	s29 =	sadd.s32 $0x1, s29;
	[sflag:s17] =	ssyncset.done $0x0  }
0xcc: {  	p0 =	sne.s32 s29, s16;
	[sflag:s17] =	ssyncadd.s32 $0xFFFFD800  }
0xcd: {  	[hbm4b:s15+s19] =	stream.strided.scatter [tilespmem:s23], [sflag:$0x3], $0x2800, s28, s19, $0x200038;
	[tilespmem:$0x1F800] =	vst v63  }
.Ltmp4:
0xce: {  	_ = 	snop;
	(pc) =	sbr.rel @p0 .LBB2_1-.Ltmp4, $4  }
0xcf: {  	_ =	swait.ge [sflag:s17], $0x2800  }
0xd0: {  	[sflag:s17] =	ssyncset.done $0x0  }
0xd1: {  	[sflag:s17] =	ssyncadd.s32 $0xFFFFD800  }
0xd2: {  	_ =	strace $0x9000004D  }
0xd3: {  	_ =	sfence.sel $0x180000  }
0xd4: {  	[bflag:$0x0] =	sbarrier.arrive $0xFFFF  }
0xd5: {  	_ =	strace $0x90000047  }
0xd6: {  	s0 =	stileid.u32;
	[bflag:$0x2] =	sbarrier.arrive $0xFFFF  }
0xd7: {  	p0 =	sne.s32 s0, $0x0;
	s0 =	rddreg [dreg:$0x4]  }
0xd8: {  	s0 =	sadd.s32 @!p0 $0x100000, s0  }
0xd9: {  	[sflag:s0] =	ssyncadd.tile.s32 @!p0 $0x1;
	_ =	shalt  }
.Lfunc_end2:
_tile_overlayer_lowered:
.L_overlay_start_2:
0xda: {  	(tag) =	ssettag $0x2  }
0xdb: {  	s0 =	rddreg [dreg:$0x0];
	s2 =	stileid.u32  }
0xdc: {  	s1 =	rddreg [dreg:$0x1];
	p0 =	sne.s32 s2, $0x0  }
0xdd: {  	s3 =	rddreg [dreg:$0x2];
	[bflag:$0x3] =	sbarrier.arrive $0xFFFF;
	s2 =	simm.s32 @!p0 $0x1C03  }
0xde: {  	[timem:s3], [sflag:s2] =	dma.local @!p0 [hbm:s0], s1  }
0xdf: {  	s0 =	simm.s32 @!p0 $0x3  }
0xe0: {  	_ =	swait.ge @!p0 [sflag:s0], s1  }
0xe1: {  	s1 =	ssub.s32 @!p0 $0x0, s1;
	[sflag:s0] =	ssyncset.done @!p0 $0x0  }
0xe2: {  	[sflag:s0] =	ssyncadd.s32 @!p0 s1  }
0xe3: {  	[bflag:$0x3] =	sbarrier.arrive $0xFFFF  }
0xe4: {  	_ =	shalt  }

</sc_bundles>
